<compile_context>
chip_gen: v7x
topology: tpu7x:2x2x1
jax: 0.10.2.dev20260603
libtpu: 0.0.44.dev20260713+nightly
codegen_flags: <defaults>
</compile_context>

<pallas_src>
import functools

import jax
import jax.numpy as jnp
import numpy as np
from jax import lax
from jax.experimental import pallas as pl
from jax.experimental.pallas import tpu as pltpu
from jax.experimental.pallas import tpu_sc as plsc

_B = 4
_Q = 300
_C = 80
_K = 100
_MR = 128
_OH = 512
_OW = 512


def _resize_weights(in_size: int, out_size: int) -> np.ndarray:
    scale = out_size / in_size
    sample_f = (np.arange(out_size) + 0.5) / scale - 0.5
    x = np.abs(sample_f[:, None] - np.arange(in_size)[None, :])
    w = np.maximum(0.0, 1.0 - x)
    w = w / w.sum(axis=1, keepdims=True)
    return w.astype(np.float32)


_W_UP = _resize_weights(_MR, _OH)


def _topk_box_kernel(cls_ref, box_ref, scores_out, labels_out, qidx_out,
                     area_out):
    x = jax.nn.sigmoid(cls_ref[...])
    flat_i = (jax.lax.broadcasted_iota(jnp.int32, (_B, _Q, _C), 1) * _C
              + jax.lax.broadcasted_iota(jnp.int32, (_B, _Q, _C), 2))
    lanes = jax.lax.broadcasted_iota(jnp.int32, (_B, 128), 1)

    def body(k, carry):
        x, s_row, l_row, q_row = carry
        m = jnp.max(x, axis=(1, 2))
        m3 = m[:, None, None]
        idx = jnp.min(jnp.where(x == m3, flat_i, jnp.int32(2**30)),
                      axis=(1, 2))
        x = jnp.where(flat_i == idx[:, None, None], -1.0, x)
        kmask = lanes == k
        s_row = jnp.where(kmask, m[:, None], s_row)
        l_row = jnp.where(kmask, (idx % _C)[:, None], l_row)
        q_row = jnp.where(kmask, (idx // _C)[:, None], q_row)
        return x, s_row, l_row, q_row

    init = (x,
            jnp.zeros((_B, 128), jnp.float32),
            jnp.zeros((_B, 128), jnp.int32),
            jnp.zeros((_B, 128), jnp.int32))
    _, s_row, l_row, q_row = jax.lax.fori_loop(0, _K, body, init)

    scores_out[...] = s_row
    labels_out[...] = l_row
    qidx_out[...] = q_row

    q_iota2 = jax.lax.broadcasted_iota(jnp.int32, (_B, _Q, 128), 1)
    sel = (q_iota2 == q_row[:, None, :]).astype(jnp.float32)
    coords = [jnp.sum(sel * box_ref[:, :, j][:, :, None], axis=1)
              for j in range(4)]
    cx, cy, w, h = coords
    x0 = jnp.clip((cx - 0.5 * w) * _OW, 0.0, _OW - 1.0)
    y0 = jnp.clip((cy - 0.5 * h) * _OH, 0.0, _OH - 1.0)
    x1 = jnp.clip((cx + 0.5 * w) * _OW, 0.0, _OW - 1.0)
    y1 = jnp.clip((cy + 0.5 * h) * _OH, 0.0, _OH - 1.0)
    area_out[...] = (x1 - x0) * (y1 - y0)


_NPAD = 512


def _sc_gather_kernel(boxes_hbm, gidx_hbm, out_hbm, idx_v, rows_v, sem):
    wid = lax.axis_index("s") * 2 + lax.axis_index("c")
    base = wid * 16
    pltpu.sync_copy(gidx_hbm.at[pl.ds(base, 16)], idx_v)
    pltpu.async_copy(boxes_hbm.at[idx_v], rows_v, sem).wait()
    pltpu.sync_copy(rows_v, out_hbm.at[pl.ds(base, 16)])


def _sc_gather_boxes(boxes_padded, gidx):
    k = functools.partial(
        pl.kernel,
        out_type=jax.ShapeDtypeStruct((_NPAD, 128), jnp.float32),
        mesh=plsc.VectorSubcoreMesh(core_axis_name="c", subcore_axis_name="s"),
        scratch_types=[
            pltpu.VMEM((16,), jnp.int32),
            pltpu.VMEM((16, 128), jnp.float32),
            pltpu.SemaphoreType.DMA,
        ],
    )(_sc_gather_kernel)
    return k(boxes_padded, gidx)




_NM = 8


def _row_upsample4(m):
    h, w = m.shape
    mp = jnp.concatenate([m[:1], m[:-1]], axis=0)
    mn = jnp.concatenate([m[1:], m[-1:]], axis=0)
    return jnp.stack([
        0.375 * mp + 0.625 * m,
        0.125 * mp + 0.875 * m,
        0.875 * m + 0.125 * mn,
        0.625 * m + 0.375 * mn,
    ], axis=1).reshape(4 * h, w)


def _split_hi_lo(x):
    hi = x.astype(jnp.bfloat16)
    lo = (x - hi.astype(jnp.float32)).astype(jnp.bfloat16)
    return hi, lo


def _mask_kernel(qref, sref, aref, m0_ref, m1_ref, m2_ref, m3_ref,
                 m4_ref, m5_ref, m6_ref, m7_ref, wc_ref,
                 g_ref, masks_out, score_out, keep_out, boxes_out):
    i = pl.program_id(0)

    @pl.when(i == 0)
    def _():
        t = g_ref[...]
        cx, cy, w, h = t[:, 0:1], t[:, 1:2], t[:, 2:3], t[:, 3:4]
        x0 = jnp.clip((cx - 0.5 * w) * _OW, 0.0, _OW - 1.0)
        y0 = jnp.clip((cy - 0.5 * h) * _OH, 0.0, _OH - 1.0)
        x1 = jnp.clip((cx + 0.5 * w) * _OW, 0.0, _OW - 1.0)
        y1 = jnp.clip((cy + 0.5 * h) * _OH, 0.0, _OH - 1.0)
        boxes_out[...] = jnp.concatenate([x0, y0, x1, y1], axis=1)

    wc = wc_ref[...]
    dn2 = (((1,), (1,)), ((), ()))
    for j, mref in enumerate((m0_ref, m1_ref, m2_ref, m3_ref,
                              m4_ref, m5_ref, m6_ref, m7_ref)):
        m = mref[0, 0]
        pos = (m > 0.0).astype(jnp.float32)
        ratio = jnp.sum(jax.nn.sigmoid(m) * pos) / (jnp.sum(pos) + 1e-6)
        rows = _row_upsample4(m)
        thi, tlo = _split_hi_lo(rows)
        up = (jax.lax.dot_general(thi, wc, dn2,
                                  preferred_element_type=jnp.float32)
              + jax.lax.dot_general(tlo, wc, dn2,
                                    preferred_element_type=jnp.float32))
        bm = up > 0.0
        masks_out[j] = bm
        msum = jnp.sum(bm.astype(jnp.float32))
        sc = sref[i * _NM + j] * ratio
        kp = (msum > 5.0) & (aref[i * _NM + j] > 10.0) & (sc > 0.05)
        score_out[i * _NM + j, 0] = jnp.full((128,), sc, jnp.float32)
        keep_out[i * _NM + j, 0] = jnp.full((128,), kp, jnp.bool_)


@functools.partial(jax.jit, static_argnames=())
def kernel(class_queries_logits, masks_queries_logits, pred_boxes):
    scores_r, labels_r, qidx_r, area_r = pl.pallas_call(
        _topk_box_kernel,
        out_shape=(
            jax.ShapeDtypeStruct((_B, 128), jnp.float32),
            jax.ShapeDtypeStruct((_B, 128), jnp.int32),
            jax.ShapeDtypeStruct((_B, 128), jnp.int32),
            jax.ShapeDtypeStruct((_B, 128), jnp.float32),
        ),
    )(class_queries_logits, pred_boxes)

    q_flat = qidx_r[:, :_K].reshape(-1)
    s_flat = scores_r[:, :_K].reshape(-1)
    a_flat = area_r[:, :_K].reshape(-1)

    w_up = jnp.asarray(_W_UP).astype(jnp.bfloat16)

    def _mk_spec(j):
        return pl.BlockSpec(
            (1, 1, _MR, _MR),
            lambda i, q, s, a: ((i * _NM + j) // _K, q[i * _NM + j], 0, 0))

    gidx = (qidx_r + _Q * jnp.arange(_B, dtype=jnp.int32)[:, None])
    gidx = gidx.reshape(-1)
    boxes_padded = jnp.pad(pred_boxes.reshape(_B * _Q, 4),
                           ((0, 0), (0, 124)))
    gathered = _sc_gather_boxes(boxes_padded, gidx)

    grid_spec2 = pltpu.PrefetchScalarGridSpec(
        num_scalar_prefetch=3,
        grid=(_B * _K // _NM,),
        in_specs=[
            _mk_spec(0), _mk_spec(1), _mk_spec(2), _mk_spec(3),
            _mk_spec(4), _mk_spec(5), _mk_spec(6), _mk_spec(7),
            pl.BlockSpec((_OW, _MR), lambda i, q, s, a: (0, 0)),
            pl.BlockSpec((_NPAD, 128), lambda i, q, s, a: (0, 0)),
        ],
        out_specs=[
            pl.BlockSpec((_NM, _OH, _OW), lambda i, q, s, a: (i, 0, 0)),
            pl.BlockSpec((_B * _K, 1, 128), lambda i, q, s, a: (0, 0, 0)),
            pl.BlockSpec((_B * _K, 1, 128), lambda i, q, s, a: (0, 0, 0)),
            pl.BlockSpec((_NPAD, 4), lambda i, q, s, a: (0, 0)),
        ],
    )
    masks_o, score_o, keep_o, boxes_t = pl.pallas_call(
        _mask_kernel,
        grid_spec=grid_spec2,
        out_shape=(
            jax.ShapeDtypeStruct((_B * _K, _OH, _OW), jnp.bool_),
            jax.ShapeDtypeStruct((_B * _K, 1, 128), jnp.float32),
            jax.ShapeDtypeStruct((_B * _K, 1, 128), jnp.bool_),
            jax.ShapeDtypeStruct((_NPAD, 4), jnp.float32),
        ),
        compiler_params=pltpu.CompilerParams(
            dimension_semantics=("arbitrary",)),
    )(q_flat, s_flat, a_flat, masks_queries_logits,
      masks_queries_logits, masks_queries_logits, masks_queries_logits,
      masks_queries_logits, masks_queries_logits, masks_queries_logits,
      masks_queries_logits, w_up, gathered)

    boxes = boxes_t.reshape(_B, 128, 4)[:, :_K, :]
    pred_scores = score_o[:, 0, 0].reshape(_B, _K)
    keep = keep_o[:, 0, 0].reshape(_B, _K)
    masks = masks_o.reshape(_B, _K, _OH, _OW)
    labels = labels_r[:, :_K]
    return (pred_scores, boxes, labels, masks, keep)

# --- scband reference (transcript-rebuilt; emitter-appended) ---
"""Pipeline reference for scband-mask-dinohead-3109556323093 (READ-ONLY COPY).

The authoritative reference and input builder live on the scoring server;
editing this copy changes nothing except your own understanding.
"""

import jax, jax.numpy as jnp
import numpy as np

NUM_CLASSES = 80
NUM_QUERIES = 300
TOPK = 100
ORI_H = 512
ORI_W = 512
BATCH = 4
MASK_RES = 128


def setup_inputs(seed: int = 0) -> dict:
    key = jax.random.key(seed)
    k1, k2, k3 = jax.random.split(key, 3)
    class_queries_logits = jax.random.normal(k1, (BATCH, NUM_QUERIES, NUM_CLASSES), dtype=jnp.float32)
    masks_queries_logits = jax.random.normal(k2, (BATCH, NUM_QUERIES, MASK_RES, MASK_RES), dtype=jnp.float32)
    pred_boxes = jax.random.uniform(k3, (BATCH, NUM_QUERIES, 4), dtype=jnp.float32)
    return {"class_queries_logits": class_queries_logits, "masks_queries_logits": masks_queries_logits, "pred_boxes": pred_boxes}


def _calculate_mask_scores(mask_pred):
    # (mask_pred.sigmoid() * (mask_pred > 0)).sum / ((mask_pred > 0).sum + 1e-6), per query
    pm = (mask_pred > 0).astype(mask_pred.dtype)
    sig = jax.nn.sigmoid(mask_pred).reshape(mask_pred.shape[0], -1)
    pmf = pm.reshape(pm.shape[0], -1)
    return (sig * pmf).sum(axis=1) / (pmf.sum(axis=1) + 1e-6)


def _box_cxcywh_to_xyxy(b):
    cx, cy, w, h = b[:, 0], b[:, 1], b[:, 2], b[:, 3]
    return jnp.stack([cx - 0.5 * w, cy - 0.5 * h, cx + 0.5 * w, cy + 0.5 * h], axis=1)


def reference(class_queries_logits, masks_queries_logits, pred_boxes):
    B = class_queries_logits.shape[0]
    out_scores, out_boxes, out_labels, out_masks, out_keep = [], [], [], [], []
    for i in range(B):
        mask_cls = class_queries_logits[i]            # [Q, C]
        mask_pred_all = masks_queries_logits[i]        # [Q, Hm, Wm]
        boxes = pred_boxes[i]                          # [Q, 4]
        scores = jax.nn.sigmoid(mask_cls)
        flat = scores.reshape(-1)                      # [Q*C]
        scores_per_image, topk_indices = jax.lax.top_k(flat, TOPK)
        labels_per_image = topk_indices % NUM_CLASSES
        q_idx = topk_indices // NUM_CLASSES
        mask_pred = mask_pred_all[q_idx]               # gather [K, Hm, Wm]
        bx = boxes[q_idx]                              # gather [K, 4]
        pred_scores = scores_per_image * _calculate_mask_scores(mask_pred)
        masks_up = jax.image.resize(mask_pred, (TOPK, ORI_H, ORI_W), method='bilinear')
        pred_masks = masks_up > 0                      # [K, H, W] bool
        scale = jnp.array([ORI_W, ORI_H, ORI_W, ORI_H], dtype=jnp.float32)
        bxyxy = scale[None, :] * _box_cxcywh_to_xyxy(bx)
        bxyxy = bxyxy.at[:, 0::2].set(jnp.clip(bxyxy[:, 0::2], 0.0, ORI_W - 1))
        bxyxy = bxyxy.at[:, 1::2].set(jnp.clip(bxyxy[:, 1::2], 0.0, ORI_H - 1))
        area = (bxyxy[:, 2] - bxyxy[:, 0]) * (bxyxy[:, 3] - bxyxy[:, 1])
        keep = (pred_masks.sum(axis=(1, 2)) > 5) & (area > 10.0) & (pred_scores > 0.05)
        out_scores.append(pred_scores)
        out_boxes.append(bxyxy)
        out_labels.append(labels_per_image)
        out_masks.append(pred_masks)
        out_keep.append(keep)
    return (jnp.stack(out_scores), jnp.stack(out_boxes), jnp.stack(out_labels), jnp.stack(out_masks), jnp.stack(out_keep))

if __name__ == "__main__":
    import jax
    _d = setup_inputs()
    print(jax.jit(kernel)(*tuple(_d.values())))

</pallas_src>

<mosaic_0001>
#map = affine_map<(d0, d1) -> (0, 0)>
#map1 = affine_map<(d0, d1) -> (0)>
module attributes {stable_mosaic.version = 14 : i64} {
  func.func @_sc_gather_kernel(%arg0: i32, %arg1: i32, %arg2: memref<1200x128xf32, #tpu.memory_space<hbm>>, %arg3: memref<512xi32, #tpu.memory_space<hbm>>, %arg4: memref<512x128xf32, #tpu.memory_space<hbm>>, %arg5: memref<16xi32, #tpu.memory_space<vmem>>, %arg6: memref<16x128xf32, #tpu.memory_space<vmem>>, %arg7: memref<!tpu.dma_semaphore, #tpu.memory_space<semaphore_mem>>) attributes {dimension_semantics = [#tpu.dimension_semantics<core_parallel>, #tpu.dimension_semantics<subcore_parallel>], iteration_bounds = array<i64: 2, 16>, scalar_prefetch = 0 : i64, scratch_operands = 3 : i64, tpu.core_type = #tpu.core_type<sc_vector_subcore>, window_params = [{transform_indices = #map}, {transform_indices = #map1}, {transform_indices = #map}]} {
    %mul3A = arith.constant 2 : i32
    %mul3A_0 = arith.muli %arg1, %mul3A : i32
    %add3A = arith.addi %mul3A_0, %arg0 : i32
    %mul3A_1 = arith.constant 16 : i32
    %mul3A_2 = arith.muli %add3A, %mul3A_1 : i32
    "tpu.region"() ({
      %run_scoped3A = tpu.sem_alloc : memref<!tpu.dma_semaphore, #tpu.memory_space<semaphore_mem>>
      %dma_start3A_7 = tpu.memref_slice %arg3[%mul3A_2] : memref<512xi32, #tpu.memory_space<hbm>> -> memref<16xi32, #tpu.memory_space<hbm>>
      %dma_start3A_8 = tpu.memref_slice %arg3[%mul3A_2] : memref<512xi32, #tpu.memory_space<hbm>> -> memref<16xi32, #tpu.memory_space<hbm>>
      tpu.enqueue_dma source(%dma_start3A_8 : memref<16xi32, #tpu.memory_space<hbm>>) target(%arg5 : memref<16xi32, #tpu.memory_space<vmem>>) target_semaphore(%run_scoped3A : memref<!tpu.dma_semaphore, #tpu.memory_space<semaphore_mem>>)
      %dma_wait3A_9 = tpu.memref_slice %arg3[%mul3A_2] : memref<512xi32, #tpu.memory_space<hbm>> -> memref<16xi32, #tpu.memory_space<hbm>>
      %dma_wait3A_10 = tpu.memref_slice %arg3[%mul3A_2] : memref<512xi32, #tpu.memory_space<hbm>> -> memref<16xi32, #tpu.memory_space<hbm>>
      tpu.wait_dma2 semaphore(%run_scoped3A : memref<!tpu.dma_semaphore, #tpu.memory_space<semaphore_mem>>) src(%dma_wait3A_10 : memref<16xi32, #tpu.memory_space<hbm>>) dst(%arg5 : memref<16xi32, #tpu.memory_space<vmem>>)
      tpu.yield
    }) : () -> ()
    %dma_start3A = arith.constant 0 : i32
    %dma_start3A_3 = arith.constant 0 : i32
    %dma_start3A_4 = tpu.memref_slice %arg2[%dma_start3A, %dma_start3A_3] : memref<1200x128xf32, #tpu.memory_space<hbm>> -> memref<1200x128xf32, #tpu.memory_space<hbm>>
    tpu.enqueue_indirect_dma source(%dma_start3A_4 : memref<1200x128xf32, #tpu.memory_space<hbm>>) target(%arg6 : memref<16x128xf32, #tpu.memory_space<vmem>>) offsets(%arg5 : memref<16xi32, #tpu.memory_space<vmem>>) semaphore(%arg7 : memref<!tpu.dma_semaphore, #tpu.memory_space<semaphore_mem>>)
    %dma_wait3A = arith.constant 0 : i32
    %dma_wait3A_5 = arith.constant 0 : i32
    %dma_wait3A_6 = tpu.memref_slice %arg2[%dma_wait3A, %dma_wait3A_5] : memref<1200x128xf32, #tpu.memory_space<hbm>> -> memref<1200x128xf32, #tpu.memory_space<hbm>>
    tpu.wait_indirect_dma semaphore(%arg7 : memref<!tpu.dma_semaphore, #tpu.memory_space<semaphore_mem>>) src(%dma_wait3A_6 : memref<1200x128xf32, #tpu.memory_space<hbm>>) dst(%arg6 : memref<16x128xf32, #tpu.memory_space<vmem>>)
    "tpu.region"() ({
      %run_scoped3A = tpu.sem_alloc : memref<!tpu.dma_semaphore, #tpu.memory_space<semaphore_mem>>
      %dma_start3A_7 = arith.constant 0 : i32
      %dma_start3A_8 = tpu.memref_slice %arg4[%mul3A_2, %dma_start3A_7] : memref<512x128xf32, #tpu.memory_space<hbm>> -> memref<16x128xf32, #tpu.memory_space<hbm>>
      %dma_start3A_9 = arith.constant 0 : i32
      %dma_start3A_10 = tpu.memref_slice %arg4[%mul3A_2, %dma_start3A_9] : memref<512x128xf32, #tpu.memory_space<hbm>> -> memref<16x128xf32, #tpu.memory_space<hbm>>
      tpu.enqueue_dma source(%arg6 : memref<16x128xf32, #tpu.memory_space<vmem>>) target(%dma_start3A_10 : memref<16x128xf32, #tpu.memory_space<hbm>>) target_semaphore(%run_scoped3A : memref<!tpu.dma_semaphore, #tpu.memory_space<semaphore_mem>>)
      %dma_wait3A_11 = arith.constant 0 : i32
      %dma_wait3A_12 = tpu.memref_slice %arg4[%mul3A_2, %dma_wait3A_11] : memref<512x128xf32, #tpu.memory_space<hbm>> -> memref<16x128xf32, #tpu.memory_space<hbm>>
      %dma_wait3A_13 = arith.constant 0 : i32
      %dma_wait3A_14 = tpu.memref_slice %arg4[%mul3A_2, %dma_wait3A_13] : memref<512x128xf32, #tpu.memory_space<hbm>> -> memref<16x128xf32, #tpu.memory_space<hbm>>
      tpu.wait_dma2 semaphore(%run_scoped3A : memref<!tpu.dma_semaphore, #tpu.memory_space<semaphore_mem>>) src(%arg6 : memref<16x128xf32, #tpu.memory_space<vmem>>) dst(%dma_wait3A_14 : memref<16x128xf32, #tpu.memory_space<hbm>>)
      tpu.yield
    }) : () -> ()
    return
  }
}

module attributes {stable_mosaic.version = 14 : i64} {
  func.func @_topk_box_kernel(%arg0: memref<4x300x80xf32, #tpu.memory_space<vmem>>, %arg1: memref<4x300x4xf32, #tpu.memory_space<vmem>>, %arg2: memref<4x128xf32, #tpu.memory_space<vmem>>, %arg3: memref<4x128xi32, #tpu.memory_space<vmem>>, %arg4: memref<4x128xi32, #tpu.memory_space<vmem>>, %arg5: memref<4x128xf32, #tpu.memory_space<vmem>>) attributes {dimension_semantics = [], scalar_prefetch = 0 : i64, scratch_operands = 0 : i64, tpu.core_type = #tpu.core_type<tc>} {
    %get3A = arith.constant 0 : index
    %get3A_0 = arith.constant 0 : index
    %get3A_1 = arith.constant 0 : index
    %get3A_2 = vector.load %arg0[%get3A, %get3A_0, %get3A_1] : memref<4x300x80xf32, #tpu.memory_space<vmem>>, vector<4x300x80xf32>
    %logistic3A = arith.negf %get3A_2 : vector<4x300x80xf32>
    %logistic3A_3 = math.exp %logistic3A : vector<4x300x80xf32>
    %logistic3A_4 = arith.constant 1.000000e+00 : f32
    %logistic3A_5 = vector.broadcast %logistic3A_4 : f32 to vector<4x300x80xf32>
    %logistic3A_6 = arith.addf %logistic3A_5, %logistic3A_3 : vector<4x300x80xf32>
    %logistic3A_7 = arith.divf %logistic3A_5, %logistic3A_6 : vector<4x300x80xf32>
    %iota3A = tpu.iota {dimensions = array<i32: 1>} : vector<4x300x80xi32>
    %mul3A = arith.constant 80 : i32
    %mul3A_8 = vector.broadcast %mul3A : i32 to vector<4x300x80xi32>
    %mul3A_9 = arith.muli %iota3A, %mul3A_8 : vector<4x300x80xi32>
    %iota3A_10 = tpu.iota {dimensions = array<i32: 2>} : vector<4x300x80xi32>
    %add3A = arith.addi %mul3A_9, %iota3A_10 : vector<4x300x80xi32>
    %iota3A_11 = tpu.iota {dimensions = array<i32: 1>} : vector<4x128xi32>
    %broadcast_in_dim3A = arith.constant 0.000000e+00 : f32
    %broadcast_in_dim3A_12 = vector.broadcast %broadcast_in_dim3A : f32 to vector<4x128xf32>
    %broadcast_in_dim3A_13 = arith.constant 0 : i32
    %broadcast_in_dim3A_14 = vector.broadcast %broadcast_in_dim3A_13 : i32 to vector<4x128xi32>
    %broadcast_in_dim3A_15 = arith.constant 0 : i32
    %broadcast_in_dim3A_16 = vector.broadcast %broadcast_in_dim3A_15 : i32 to vector<4x128xi32>
    %scan3A = arith.constant 0 : i32
    %scan3A_17 = arith.constant 100 : i32
    %scan3A_18 = arith.addi %scan3A, %scan3A_17 : i32
    %scan3A_19 = arith.constant 1 : i32
    %scan3A_20:4 = scf.for %scan3A_127 = %scan3A to %scan3A_18 step %scan3A_19 iter_args(%scan3A_128 = %logistic3A_7, %scan3A_129 = %broadcast_in_dim3A_12, %scan3A_130 = %broadcast_in_dim3A_14, %scan3A_131 = %broadcast_in_dim3A_16) -> (vector<4x300x80xf32>, vector<4x128xf32>, vector<4x128xi32>, vector<4x128xi32>)  : i32 {
      %reduce_max3A = arith.constant dense<0xFF800000> : vector<4xf32>
      %reduce_max3A_132 = vector.multi_reduction <maximumf>, %scan3A_128, %reduce_max3A [1, 2] : vector<4x300x80xf32> to vector<4xf32>
      %broadcast_in_dim3A_133 = vector.shape_cast %reduce_max3A_132 : vector<4xf32> to vector<4x1x1xf32>
      %eq3A_134 = vector.broadcast %broadcast_in_dim3A_133 : vector<4x1x1xf32> to vector<4x300x80xf32>
      %eq3A_135 = arith.cmpf oeq, %scan3A_128, %eq3A_134 : vector<4x300x80xf32>
      %jit3A_136 = arith.constant 1073741824 : i32
      %broadcast_in_dim3A_137 = vector.broadcast %jit3A_136 : i32 to vector<4x300x80xi32>
      %select_n3A = arith.select %eq3A_135, %add3A, %broadcast_in_dim3A_137 : vector<4x300x80xi1>, vector<4x300x80xi32>
      %reduce_min3A = arith.constant dense<2147483647> : vector<4xi32>
      %reduce_min3A_138 = vector.multi_reduction <minsi>, %select_n3A, %reduce_min3A [1, 2] : vector<4x300x80xi32> to vector<4xi32>
      %broadcast_in_dim3A_139 = vector.shape_cast %reduce_min3A_138 : vector<4xi32> to vector<4x1x1xi32>
      %eq3A_140 = vector.broadcast %broadcast_in_dim3A_139 : vector<4x1x1xi32> to vector<4x300x80xi32>
      %eq3A_141 = arith.cmpi eq, %add3A, %eq3A_140 : vector<4x300x80xi32>
      %jit3A_142 = arith.constant -1.000000e+00 : f32
      %broadcast_in_dim3A_143 = vector.broadcast %jit3A_142 : f32 to vector<4x300x80xf32>
      %select_n3A_144 = arith.select %eq3A_141, %broadcast_in_dim3A_143, %scan3A_128 : vector<4x300x80xi1>, vector<4x300x80xf32>
      %eq3A_145 = vector.broadcast %scan3A_127 : i32 to vector<4x128xi32>
      %eq3A_146 = arith.cmpi eq, %iota3A_11, %eq3A_145 : vector<4x128xi32>
      %broadcast_in_dim3A_147 = vector.shape_cast %reduce_max3A_132 : vector<4xf32> to vector<4x1xf32>
      %broadcast_in_dim3A_148 = vector.shape_cast %broadcast_in_dim3A_147 : vector<4x1xf32> to vector<4x1xf32>
      %broadcast_in_dim3A_149 = vector.broadcast %broadcast_in_dim3A_148 : vector<4x1xf32> to vector<4x128xf32>
      %select_n3A_150 = arith.select %eq3A_146, %broadcast_in_dim3A_149, %scan3A_129 : vector<4x128xi1>, vector<4x128xf32>
      %jit3A_151 = arith.constant 80 : i32
      %eq3A_152 = arith.constant 0 : i32
      %eq3A_153 = arith.cmpi eq, %jit3A_151, %eq3A_152 : i32
      %jit3A_154 = arith.constant 1 : i32
      %select_n3A_155 = arith.select %eq3A_153, %jit3A_154, %jit3A_151 : i32
      %rem3A = vector.broadcast %select_n3A_155 : i32 to vector<4xi32>
      %rem3A_156 = arith.remsi %reduce_min3A_138, %rem3A : vector<4xi32>
      %ne3A = arith.constant 0 : i32
      %ne3A_157 = vector.broadcast %ne3A : i32 to vector<4xi32>
      %ne3A_158 = arith.cmpi ne, %rem3A_156, %ne3A_157 : vector<4xi32>
      %lt3A = arith.constant 0 : i32
      %lt3A_159 = vector.broadcast %lt3A : i32 to vector<4xi32>
      %lt3A_160 = arith.cmpi slt, %rem3A_156, %lt3A_159 : vector<4xi32>
      %lt3A_161 = arith.constant 0 : i32
      %lt3A_162 = arith.cmpi slt, %select_n3A_155, %lt3A_161 : i32
      %ne3A_163 = vector.broadcast %lt3A_162 : i1 to vector<4xi1>
      %ne3A_164 = vector.broadcast %ne3A_163 : vector<4xi1> to vector<4xi1>
      %ne3A_165 = arith.xori %lt3A_160, %ne3A_164 : vector<4xi1>
      %and3A = arith.andi %ne3A_165, %ne3A_158 : vector<4xi1>
      %add3A_166 = vector.broadcast %select_n3A_155 : i32 to vector<4xi32>
      %add3A_167 = arith.addi %rem3A_156, %add3A_166 : vector<4xi32>
      %select_n3A_168 = arith.select %and3A, %add3A_167, %rem3A_156 : vector<4xi1>, vector<4xi32>
      %broadcast_in_dim3A_169 = vector.shape_cast %select_n3A_168 : vector<4xi32> to vector<4x1xi32>
      %broadcast_in_dim3A_170 = vector.shape_cast %broadcast_in_dim3A_169 : vector<4x1xi32> to vector<4x1xi32>
      %broadcast_in_dim3A_171 = vector.broadcast %broadcast_in_dim3A_170 : vector<4x1xi32> to vector<4x128xi32>
      %select_n3A_172 = arith.select %eq3A_146, %broadcast_in_dim3A_171, %scan3A_130 : vector<4x128xi1>, vector<4x128xi32>
      %jit3A_173 = arith.constant 80 : i32
      %div3A = vector.broadcast %jit3A_173 : i32 to vector<4xi32>
      %div3A_174 = arith.divsi %reduce_min3A_138, %div3A : vector<4xi32>
      %sign3A = arith.constant 0 : i32
      %sign3A_175 = vector.broadcast %sign3A : i32 to vector<4xi32>
      %sign3A_176 = arith.cmpi sgt, %reduce_min3A_138, %sign3A_175 : vector<4xi32>
      %sign3A_177 = arith.extui %sign3A_176 : vector<4xi1> to vector<4xi32>
      %sign3A_178 = arith.constant 0 : i32
      %sign3A_179 = vector.broadcast %sign3A_178 : i32 to vector<4xi32>
      %sign3A_180 = arith.cmpi slt, %reduce_min3A_138, %sign3A_179 : vector<4xi32>
      %sign3A_181 = arith.extui %sign3A_180 : vector<4xi1> to vector<4xi32>
      %sign3A_182 = arith.subi %sign3A_177, %sign3A_181 : vector<4xi32>
      %sign3A_183 = arith.constant 0 : i32
      %sign3A_184 = arith.cmpi sgt, %jit3A_173, %sign3A_183 : i32
      %sign3A_185 = arith.extui %sign3A_184 : i1 to i32
      %sign3A_186 = arith.constant 0 : i32
      %sign3A_187 = arith.cmpi slt, %jit3A_173, %sign3A_186 : i32
      %sign3A_188 = arith.extui %sign3A_187 : i1 to i32
      %sign3A_189 = arith.subi %sign3A_185, %sign3A_188 : i32
      %ne3A_190 = vector.broadcast %sign3A_189 : i32 to vector<4xi32>
      %ne3A_191 = arith.cmpi ne, %sign3A_182, %ne3A_190 : vector<4xi32>
      %rem3A_192 = vector.broadcast %jit3A_173 : i32 to vector<4xi32>
      %rem3A_193 = arith.remsi %reduce_min3A_138, %rem3A_192 : vector<4xi32>
      %ne3A_194 = arith.constant 0 : i32
      %ne3A_195 = vector.broadcast %ne3A_194 : i32 to vector<4xi32>
      %ne3A_196 = arith.cmpi ne, %rem3A_193, %ne3A_195 : vector<4xi32>
      %and3A_197 = arith.andi %ne3A_191, %ne3A_196 : vector<4xi1>
      %sub3A_198 = arith.constant 1 : i32
      %sub3A_199 = vector.broadcast %sub3A_198 : i32 to vector<4xi32>
      %sub3A_200 = arith.subi %div3A_174, %sub3A_199 : vector<4xi32>
      %select_n3A_201 = arith.select %and3A_197, %sub3A_200, %div3A_174 : vector<4xi1>, vector<4xi32>
      %broadcast_in_dim3A_202 = vector.shape_cast %select_n3A_201 : vector<4xi32> to vector<4x1xi32>
      %broadcast_in_dim3A_203 = vector.shape_cast %broadcast_in_dim3A_202 : vector<4x1xi32> to vector<4x1xi32>
      %broadcast_in_dim3A_204 = vector.broadcast %broadcast_in_dim3A_203 : vector<4x1xi32> to vector<4x128xi32>
      %select_n3A_205 = arith.select %eq3A_146, %broadcast_in_dim3A_204, %scan3A_131 : vector<4x128xi1>, vector<4x128xi32>
      scf.yield %select_n3A_144, %select_n3A_150, %select_n3A_172, %select_n3A_205 : vector<4x300x80xf32>, vector<4x128xf32>, vector<4x128xi32>, vector<4x128xi32>
    }
    %scan3A_21 = arith.constant 100 : i32
    %swap3A = arith.constant 0 : index
    %swap3A_22 = arith.constant 0 : index
    %swap3A_23 = vector.load %arg2[%swap3A, %swap3A_22] : memref<4x128xf32, #tpu.memory_space<vmem>>, vector<4x128xf32>
    tpu.vector_store %arg2[%swap3A, %swap3A_22], %scan3A_20#1 {strides = array<i32>} : memref<4x128xf32, #tpu.memory_space<vmem>>, vector<4x128xf32>,
    %swap3A_24 = arith.constant 0 : index
    %swap3A_25 = arith.constant 0 : index
    %swap3A_26 = vector.load %arg3[%swap3A_24, %swap3A_25] : memref<4x128xi32, #tpu.memory_space<vmem>>, vector<4x128xi32>
    tpu.vector_store %arg3[%swap3A_24, %swap3A_25], %scan3A_20#2 {strides = array<i32>} : memref<4x128xi32, #tpu.memory_space<vmem>>, vector<4x128xi32>,
    %swap3A_27 = arith.constant 0 : index
    %swap3A_28 = arith.constant 0 : index
    %swap3A_29 = vector.load %arg4[%swap3A_27, %swap3A_28] : memref<4x128xi32, #tpu.memory_space<vmem>>, vector<4x128xi32>
    tpu.vector_store %arg4[%swap3A_27, %swap3A_28], %scan3A_20#3 {strides = array<i32>} : memref<4x128xi32, #tpu.memory_space<vmem>>, vector<4x128xi32>,
    %iota3A_30 = tpu.iota {dimensions = array<i32: 1>} : vector<4x300x128xi32>
    %broadcast_in_dim3A_31 = vector.shape_cast %scan3A_20#3 : vector<4x128xi32> to vector<4x1x128xi32>
    %eq3A = vector.broadcast %broadcast_in_dim3A_31 : vector<4x1x128xi32> to vector<4x300x128xi32>
    %eq3A_32 = arith.cmpi eq, %iota3A_30, %eq3A : vector<4x300x128xi32>
    %convert_element_type3A = arith.extui %eq3A_32 : vector<4x300x128xi1> to vector<4x300x128xi32>
    %convert_element_type3A_33 = arith.sitofp %convert_element_type3A : vector<4x300x128xi32> to vector<4x300x128xf32>
    %get3A_34 = arith.constant 0 : index
    %get3A_35 = arith.constant 0 : index
    %get3A_36 = arith.constant 0 : index
    %get3A_37 = vector.load %arg1[%get3A_34, %get3A_35, %get3A_36] : memref<4x300x4xf32, #tpu.memory_space<vmem>>, vector<4x300x1xf32>
    %get3A_38 = vector.shape_cast %get3A_37 : vector<4x300x1xf32> to vector<4x300xf32>
    %broadcast_in_dim3A_39 = vector.shape_cast %get3A_38 : vector<4x300xf32> to vector<4x300x1xf32>
    %mul3A_40 = vector.broadcast %broadcast_in_dim3A_39 : vector<4x300x1xf32> to vector<4x300x128xf32>
    %mul3A_41 = arith.mulf %convert_element_type3A_33, %mul3A_40 : vector<4x300x128xf32>
    %reduce_sum3A = arith.constant dense<0.000000e+00> : vector<4x128xf32>
    %reduce_sum3A_42 = vector.multi_reduction <add>, %mul3A_41, %reduce_sum3A [1] : vector<4x300x128xf32> to vector<4x128xf32>
    %get3A_43 = arith.constant 0 : index
    %get3A_44 = arith.constant 0 : index
    %get3A_45 = arith.constant 1 : index
    %get3A_46 = vector.load %arg1[%get3A_43, %get3A_44, %get3A_45] : memref<4x300x4xf32, #tpu.memory_space<vmem>>, vector<4x300x1xf32>
    %get3A_47 = vector.shape_cast %get3A_46 : vector<4x300x1xf32> to vector<4x300xf32>
    %broadcast_in_dim3A_48 = vector.shape_cast %get3A_47 : vector<4x300xf32> to vector<4x300x1xf32>
    %mul3A_49 = vector.broadcast %broadcast_in_dim3A_48 : vector<4x300x1xf32> to vector<4x300x128xf32>
    %mul3A_50 = arith.mulf %convert_element_type3A_33, %mul3A_49 : vector<4x300x128xf32>
    %reduce_sum3A_51 = arith.constant dense<0.000000e+00> : vector<4x128xf32>
    %reduce_sum3A_52 = vector.multi_reduction <add>, %mul3A_50, %reduce_sum3A_51 [1] : vector<4x300x128xf32> to vector<4x128xf32>
    %get3A_53 = arith.constant 0 : index
    %get3A_54 = arith.constant 0 : index
    %get3A_55 = arith.constant 2 : index
    %get3A_56 = vector.load %arg1[%get3A_53, %get3A_54, %get3A_55] : memref<4x300x4xf32, #tpu.memory_space<vmem>>, vector<4x300x1xf32>
    %get3A_57 = vector.shape_cast %get3A_56 : vector<4x300x1xf32> to vector<4x300xf32>
    %broadcast_in_dim3A_58 = vector.shape_cast %get3A_57 : vector<4x300xf32> to vector<4x300x1xf32>
    %mul3A_59 = vector.broadcast %broadcast_in_dim3A_58 : vector<4x300x1xf32> to vector<4x300x128xf32>
    %mul3A_60 = arith.mulf %convert_element_type3A_33, %mul3A_59 : vector<4x300x128xf32>
    %reduce_sum3A_61 = arith.constant dense<0.000000e+00> : vector<4x128xf32>
    %reduce_sum3A_62 = vector.multi_reduction <add>, %mul3A_60, %reduce_sum3A_61 [1] : vector<4x300x128xf32> to vector<4x128xf32>
    %get3A_63 = arith.constant 0 : index
    %get3A_64 = arith.constant 0 : index
    %get3A_65 = arith.constant 3 : index
    %get3A_66 = vector.load %arg1[%get3A_63, %get3A_64, %get3A_65] : memref<4x300x4xf32, #tpu.memory_space<vmem>>, vector<4x300x1xf32>
    %get3A_67 = vector.shape_cast %get3A_66 : vector<4x300x1xf32> to vector<4x300xf32>
    %broadcast_in_dim3A_68 = vector.shape_cast %get3A_67 : vector<4x300xf32> to vector<4x300x1xf32>
    %mul3A_69 = vector.broadcast %broadcast_in_dim3A_68 : vector<4x300x1xf32> to vector<4x300x128xf32>
    %mul3A_70 = arith.mulf %convert_element_type3A_33, %mul3A_69 : vector<4x300x128xf32>
    %reduce_sum3A_71 = arith.constant dense<0.000000e+00> : vector<4x128xf32>
    %reduce_sum3A_72 = vector.multi_reduction <add>, %mul3A_70, %reduce_sum3A_71 [1] : vector<4x300x128xf32> to vector<4x128xf32>
    %mul3A_73 = arith.constant 5.000000e-01 : f32
    %mul3A_74 = vector.broadcast %mul3A_73 : f32 to vector<4x128xf32>
    %mul3A_75 = arith.mulf %mul3A_74, %reduce_sum3A_62 : vector<4x128xf32>
    %sub3A = arith.subf %reduce_sum3A_42, %mul3A_75 : vector<4x128xf32>
    %mul3A_76 = arith.constant 5.120000e+02 : f32
    %mul3A_77 = vector.broadcast %mul3A_76 : f32 to vector<4x128xf32>
    %mul3A_78 = arith.mulf %sub3A, %mul3A_77 : vector<4x128xf32>
    %jit3A = arith.constant 0.000000e+00 : f32
    %jit3A_79 = arith.constant 5.110000e+02 : f32
    %max3A = vector.broadcast %jit3A : f32 to vector<4x128xf32>
    %max3A_80 = arith.maximumf %max3A, %mul3A_78 : vector<4x128xf32>
    %min3A = vector.broadcast %jit3A_79 : f32 to vector<4x128xf32>
    %min3A_81 = arith.minimumf %min3A, %max3A_80 : vector<4x128xf32>
    %mul3A_82 = arith.constant 5.000000e-01 : f32
    %mul3A_83 = vector.broadcast %mul3A_82 : f32 to vector<4x128xf32>
    %mul3A_84 = arith.mulf %mul3A_83, %reduce_sum3A_72 : vector<4x128xf32>
    %sub3A_85 = arith.subf %reduce_sum3A_52, %mul3A_84 : vector<4x128xf32>
    %mul3A_86 = arith.constant 5.120000e+02 : f32
    %mul3A_87 = vector.broadcast %mul3A_86 : f32 to vector<4x128xf32>
    %mul3A_88 = arith.mulf %sub3A_85, %mul3A_87 : vector<4x128xf32>
    %jit3A_89 = arith.constant 0.000000e+00 : f32
    %jit3A_90 = arith.constant 5.110000e+02 : f32
    %max3A_91 = vector.broadcast %jit3A_89 : f32 to vector<4x128xf32>
    %max3A_92 = arith.maximumf %max3A_91, %mul3A_88 : vector<4x128xf32>
    %min3A_93 = vector.broadcast %jit3A_90 : f32 to vector<4x128xf32>
    %min3A_94 = arith.minimumf %min3A_93, %max3A_92 : vector<4x128xf32>
    %mul3A_95 = arith.constant 5.000000e-01 : f32
    %mul3A_96 = vector.broadcast %mul3A_95 : f32 to vector<4x128xf32>
    %mul3A_97 = arith.mulf %mul3A_96, %reduce_sum3A_62 : vector<4x128xf32>
    %add3A_98 = arith.addf %reduce_sum3A_42, %mul3A_97 : vector<4x128xf32>
    %mul3A_99 = arith.constant 5.120000e+02 : f32
    %mul3A_100 = vector.broadcast %mul3A_99 : f32 to vector<4x128xf32>
    %mul3A_101 = arith.mulf %add3A_98, %mul3A_100 : vector<4x128xf32>
    %jit3A_102 = arith.constant 0.000000e+00 : f32
    %jit3A_103 = arith.constant 5.110000e+02 : f32
    %max3A_104 = vector.broadcast %jit3A_102 : f32 to vector<4x128xf32>
    %max3A_105 = arith.maximumf %max3A_104, %mul3A_101 : vector<4x128xf32>
    %min3A_106 = vector.broadcast %jit3A_103 : f32 to vector<4x128xf32>
    %min3A_107 = arith.minimumf %min3A_106, %max3A_105 : vector<4x128xf32>
    %mul3A_108 = arith.constant 5.000000e-01 : f32
    %mul3A_109 = vector.broadcast %mul3A_108 : f32 to vector<4x128xf32>
    %mul3A_110 = arith.mulf %mul3A_109, %reduce_sum3A_72 : vector<4x128xf32>
    %add3A_111 = arith.addf %reduce_sum3A_52, %mul3A_110 : vector<4x128xf32>
    %mul3A_112 = arith.constant 5.120000e+02 : f32
    %mul3A_113 = vector.broadcast %mul3A_112 : f32 to vector<4x128xf32>
    %mul3A_114 = arith.mulf %add3A_111, %mul3A_113 : vector<4x128xf32>
    %jit3A_115 = arith.constant 0.000000e+00 : f32
    %jit3A_116 = arith.constant 5.110000e+02 : f32
    %max3A_117 = vector.broadcast %jit3A_115 : f32 to vector<4x128xf32>
    %max3A_118 = arith.maximumf %max3A_117, %mul3A_114 : vector<4x128xf32>
    %min3A_119 = vector.broadcast %jit3A_116 : f32 to vector<4x128xf32>
    %min3A_120 = arith.minimumf %min3A_119, %max3A_118 : vector<4x128xf32>
    %sub3A_121 = arith.subf %min3A_107, %min3A_81 : vector<4x128xf32>
    %sub3A_122 = arith.subf %min3A_120, %min3A_94 : vector<4x128xf32>
    %mul3A_123 = arith.mulf %sub3A_121, %sub3A_122 : vector<4x128xf32>
    %swap3A_124 = arith.constant 0 : index
    %swap3A_125 = arith.constant 0 : index
    %swap3A_126 = vector.load %arg5[%swap3A_124, %swap3A_125] : memref<4x128xf32, #tpu.memory_space<vmem>>, vector<4x128xf32>
    tpu.vector_store %arg5[%swap3A_124, %swap3A_125], %mul3A_123 {strides = array<i32>} : memref<4x128xf32, #tpu.memory_space<vmem>>, vector<4x128xf32>,
    return
  }
}

module attributes {stable_mosaic.version = 14 : i64} {
  func.func @_mask_kernel(%arg0: i32, %arg1: memref<400xi32, #tpu.memory_space<smem>>, %arg2: memref<400xf32, #tpu.memory_space<smem>>, %arg3: memref<400xf32, #tpu.memory_space<smem>>, %arg4: memref<1x1x128x128xf32, #tpu.memory_space<vmem>>, %arg5: memref<1x1x128x128xf32, #tpu.memory_space<vmem>>, %arg6: memref<1x1x128x128xf32, #tpu.memory_space<vmem>>, %arg7: memref<1x1x128x128xf32, #tpu.memory_space<vmem>>, %arg8: memref<1x1x128x128xf32, #tpu.memory_space<vmem>>, %arg9: memref<1x1x128x128xf32, #tpu.memory_space<vmem>>, %arg10: memref<1x1x128x128xf32, #tpu.memory_space<vmem>>, %arg11: memref<1x1x128x128xf32, #tpu.memory_space<vmem>>, %arg12: memref<512x128xbf16, #tpu.memory_space<vmem>>, %arg13: memref<512x128xf32, #tpu.memory_space<vmem>>, %arg14: memref<8x512x512xi32, #tpu.memory_space<vmem>>, %arg15: memref<400x1x128xf32, #tpu.memory_space<vmem>>, %arg16: memref<400x1x128xi32, #tpu.memory_space<vmem>>, %arg17: memref<512x4xf32, #tpu.memory_space<vmem>>) attributes {dimension_semantics = [#tpu.dimension_semantics<arbitrary>], iteration_bounds = array<i64: 50>, scalar_prefetch = 3 : i64, scratch_operands = 0 : i64, tpu.core_type = #tpu.core_type<tc>, window_params = [{transform_indices = @transform_0, window_bounds = array<i64: 1, 1, 128, 128>}, {transform_indices = @transform_1, window_bounds = array<i64: 1, 1, 128, 128>}, {transform_indices = @transform_2, window_bounds = array<i64: 1, 1, 128, 128>}, {transform_indices = @transform_3, window_bounds = array<i64: 1, 1, 128, 128>}, {transform_indices = @transform_4, window_bounds = array<i64: 1, 1, 128, 128>}, {transform_indices = @transform_5, window_bounds = array<i64: 1, 1, 128, 128>}, {transform_indices = @transform_6, window_bounds = array<i64: 1, 1, 128, 128>}, {transform_indices = @transform_7, window_bounds = array<i64: 1, 1, 128, 128>}, {pipeline_mode = #tpu.pipeline_mode<synchronous>, transform_indices = @transform_8, window_bounds = array<i64: 512, 128>}, {pipeline_mode = #tpu.pipeline_mode<synchronous>, transform_indices = @transform_9, window_bounds = array<i64: 512, 128>}, {transform_indices = @transform_10, window_bounds = array<i64: 8, 512, 512>}, {pipeline_mode = #tpu.pipeline_mode<synchronous>, transform_indices = @transform_11, window_bounds = array<i64: 400, 1, 128>}, {pipeline_mode = #tpu.pipeline_mode<synchronous>, transform_indices = @transform_12, window_bounds = array<i64: 400, 1, 128>}, {pipeline_mode = #tpu.pipeline_mode<synchronous>, transform_indices = @transform_13, window_bounds = array<i64: 512, 4>}]} {
    %eq3A = arith.constant 0 : i32
    %eq3A_0 = arith.cmpi eq, %arg0, %eq3A : i32
    %convert_element_type3A = arith.extui %eq3A_0 : i1 to i32
    %cond3A = arith.constant 0 : i32
    %cond3A_1 = arith.cmpi ne, %convert_element_type3A, %cond3A : i32
    scf.if %cond3A_1 {
      %get3A_1149 = arith.constant 0 : index
      %get3A_1150 = arith.constant 0 : index
      %get3A_1151 = vector.load %arg13[%get3A_1149, %get3A_1150] : memref<512x128xf32, #tpu.memory_space<vmem>>, vector<512x128xf32>
      %slice3A_1152 = vector.extract_strided_slice %get3A_1151 {offsets = [0, 0], sizes = [512, 1], strides = [1, 1]} : vector<512x128xf32> to vector<512x1xf32>
      %slice3A_1153 = vector.extract_strided_slice %get3A_1151 {offsets = [0, 1], sizes = [512, 1], strides = [1, 1]} : vector<512x128xf32> to vector<512x1xf32>
      %slice3A_1154 = vector.extract_strided_slice %get3A_1151 {offsets = [0, 2], sizes = [512, 1], strides = [1, 1]} : vector<512x128xf32> to vector<512x1xf32>
      %slice3A_1155 = vector.extract_strided_slice %get3A_1151 {offsets = [0, 3], sizes = [512, 1], strides = [1, 1]} : vector<512x128xf32> to vector<512x1xf32>
      %mul3A_1156 = arith.constant 5.000000e-01 : f32
      %mul3A_1157 = vector.broadcast %mul3A_1156 : f32 to vector<512x1xf32>
      %mul3A_1158 = arith.mulf %mul3A_1157, %slice3A_1154 : vector<512x1xf32>
      %sub3A_1159 = arith.subf %slice3A_1152, %mul3A_1158 : vector<512x1xf32>
      %mul3A_1160 = arith.constant 5.120000e+02 : f32
      %mul3A_1161 = vector.broadcast %mul3A_1160 : f32 to vector<512x1xf32>
      %mul3A_1162 = arith.mulf %sub3A_1159, %mul3A_1161 : vector<512x1xf32>
      %jit3A = arith.constant 0.000000e+00 : f32
      %jit3A_1163 = arith.constant 5.110000e+02 : f32
      %max3A = vector.broadcast %jit3A : f32 to vector<512x1xf32>
      %max3A_1164 = arith.maximumf %max3A, %mul3A_1162 : vector<512x1xf32>
      %min3A = vector.broadcast %jit3A_1163 : f32 to vector<512x1xf32>
      %min3A_1165 = arith.minimumf %min3A, %max3A_1164 : vector<512x1xf32>
      %mul3A_1166 = arith.constant 5.000000e-01 : f32
      %mul3A_1167 = vector.broadcast %mul3A_1166 : f32 to vector<512x1xf32>
      %mul3A_1168 = arith.mulf %mul3A_1167, %slice3A_1155 : vector<512x1xf32>
      %sub3A_1169 = arith.subf %slice3A_1153, %mul3A_1168 : vector<512x1xf32>
      %mul3A_1170 = arith.constant 5.120000e+02 : f32
      %mul3A_1171 = vector.broadcast %mul3A_1170 : f32 to vector<512x1xf32>
      %mul3A_1172 = arith.mulf %sub3A_1169, %mul3A_1171 : vector<512x1xf32>
      %jit3A_1173 = arith.constant 0.000000e+00 : f32
      %jit3A_1174 = arith.constant 5.110000e+02 : f32
      %max3A_1175 = vector.broadcast %jit3A_1173 : f32 to vector<512x1xf32>
      %max3A_1176 = arith.maximumf %max3A_1175, %mul3A_1172 : vector<512x1xf32>
      %min3A_1177 = vector.broadcast %jit3A_1174 : f32 to vector<512x1xf32>
      %min3A_1178 = arith.minimumf %min3A_1177, %max3A_1176 : vector<512x1xf32>
      %mul3A_1179 = arith.constant 5.000000e-01 : f32
      %mul3A_1180 = vector.broadcast %mul3A_1179 : f32 to vector<512x1xf32>
      %mul3A_1181 = arith.mulf %mul3A_1180, %slice3A_1154 : vector<512x1xf32>
      %add3A_1182 = arith.addf %slice3A_1152, %mul3A_1181 : vector<512x1xf32>
      %mul3A_1183 = arith.constant 5.120000e+02 : f32
      %mul3A_1184 = vector.broadcast %mul3A_1183 : f32 to vector<512x1xf32>
      %mul3A_1185 = arith.mulf %add3A_1182, %mul3A_1184 : vector<512x1xf32>
      %jit3A_1186 = arith.constant 0.000000e+00 : f32
      %jit3A_1187 = arith.constant 5.110000e+02 : f32
      %max3A_1188 = vector.broadcast %jit3A_1186 : f32 to vector<512x1xf32>
      %max3A_1189 = arith.maximumf %max3A_1188, %mul3A_1185 : vector<512x1xf32>
      %min3A_1190 = vector.broadcast %jit3A_1187 : f32 to vector<512x1xf32>
      %min3A_1191 = arith.minimumf %min3A_1190, %max3A_1189 : vector<512x1xf32>
      %mul3A_1192 = arith.constant 5.000000e-01 : f32
      %mul3A_1193 = vector.broadcast %mul3A_1192 : f32 to vector<512x1xf32>
      %mul3A_1194 = arith.mulf %mul3A_1193, %slice3A_1155 : vector<512x1xf32>
      %add3A_1195 = arith.addf %slice3A_1153, %mul3A_1194 : vector<512x1xf32>
      %mul3A_1196 = arith.constant 5.120000e+02 : f32
      %mul3A_1197 = vector.broadcast %mul3A_1196 : f32 to vector<512x1xf32>
      %mul3A_1198 = arith.mulf %add3A_1195, %mul3A_1197 : vector<512x1xf32>
      %jit3A_1199 = arith.constant 0.000000e+00 : f32
      %jit3A_1200 = arith.constant 5.110000e+02 : f32
      %max3A_1201 = vector.broadcast %jit3A_1199 : f32 to vector<512x1xf32>
      %max3A_1202 = arith.maximumf %max3A_1201, %mul3A_1198 : vector<512x1xf32>
      %min3A_1203 = vector.broadcast %jit3A_1200 : f32 to vector<512x1xf32>
      %min3A_1204 = arith.minimumf %min3A_1203, %max3A_1202 : vector<512x1xf32>
      %concatenate3A_1205 = tpu.concatenate %min3A_1165, %min3A_1178, %min3A_1191, %min3A_1204 in 1 : vector<512x1xf32>, vector<512x1xf32>, vector<512x1xf32>, vector<512x1xf32> -> vector<512x4xf32>
      %swap3A_1206 = arith.constant 0 : index
      %swap3A_1207 = arith.constant 0 : index
      %swap3A_1208 = vector.load %arg17[%swap3A_1206, %swap3A_1207] : memref<512x4xf32, #tpu.memory_space<vmem>>, vector<512x4xf32>
      tpu.vector_store %arg17[%swap3A_1206, %swap3A_1207], %concatenate3A_1205 {strides = array<i32>} : memref<512x4xf32, #tpu.memory_space<vmem>>, vector<512x4xf32>,
    } else {
    }
    %get3A = arith.constant 0 : index
    %get3A_2 = arith.constant 0 : index
    %get3A_3 = vector.load %arg12[%get3A, %get3A_2] : memref<512x128xbf16, #tpu.memory_space<vmem>>, vector<512x128xbf16>
    %get3A_4 = arith.constant 0 : index
    %get3A_5 = arith.constant 0 : index
    %get3A_6 = arith.constant 0 : index
    %get3A_7 = arith.constant 0 : index
    %get3A_8 = vector.load %arg4[%get3A_4, %get3A_5, %get3A_6, %get3A_7] : memref<1x1x128x128xf32, #tpu.memory_space<vmem>>, vector<1x1x128x128xf32>
    %get3A_9 = vector.shape_cast %get3A_8 : vector<1x1x128x128xf32> to vector<128x128xf32>
    %gt3A = arith.constant 0.000000e+00 : f32
    %gt3A_10 = vector.broadcast %gt3A : f32 to vector<128x128xf32>
    %gt3A_11 = arith.cmpf ogt, %get3A_9, %gt3A_10 : vector<128x128xf32>
    %convert_element_type3A_12 = arith.extui %gt3A_11 : vector<128x128xi1> to vector<128x128xi32>
    %convert_element_type3A_13 = arith.sitofp %convert_element_type3A_12 : vector<128x128xi32> to vector<128x128xf32>
    %logistic3A = arith.negf %get3A_9 : vector<128x128xf32>
    %logistic3A_14 = math.exp %logistic3A : vector<128x128xf32>
    %logistic3A_15 = arith.constant 1.000000e+00 : f32
    %logistic3A_16 = vector.broadcast %logistic3A_15 : f32 to vector<128x128xf32>
    %logistic3A_17 = arith.addf %logistic3A_16, %logistic3A_14 : vector<128x128xf32>
    %logistic3A_18 = arith.divf %logistic3A_16, %logistic3A_17 : vector<128x128xf32>
    %mul3A = arith.mulf %logistic3A_18, %convert_element_type3A_13 : vector<128x128xf32>
    %reduce_sum3A = vector.shape_cast %mul3A : vector<128x128xf32> to vector<1x128x128xf32>
    %reduce_sum3A_19 = arith.constant dense<0.000000e+00> : vector<1xf32>
    %reduce_sum3A_20 = vector.multi_reduction <add>, %reduce_sum3A, %reduce_sum3A_19 [1, 2] : vector<1x128x128xf32> to vector<1xf32>
    %reduce_sum3A_21 = vector.shape_cast %reduce_sum3A_20 : vector<1xf32> to vector<1x1x1xf32>
    %reduce_sum3A_22 = vector.extract %reduce_sum3A_21[0, 0, 0] : f32 from vector<1x1x1xf32>
    %reduce_sum3A_23 = vector.shape_cast %convert_element_type3A_13 : vector<128x128xf32> to vector<1x128x128xf32>
    %reduce_sum3A_24 = arith.constant dense<0.000000e+00> : vector<1xf32>
    %reduce_sum3A_25 = vector.multi_reduction <add>, %reduce_sum3A_23, %reduce_sum3A_24 [1, 2] : vector<1x128x128xf32> to vector<1xf32>
    %reduce_sum3A_26 = vector.shape_cast %reduce_sum3A_25 : vector<1xf32> to vector<1x1x1xf32>
    %reduce_sum3A_27 = vector.extract %reduce_sum3A_26[0, 0, 0] : f32 from vector<1x1x1xf32>
    %add3A = arith.constant 9.99999997E-7 : f32
    %add3A_28 = arith.addf %reduce_sum3A_27, %add3A : f32
    %div3A = arith.divf %reduce_sum3A_22, %add3A_28 : f32
    %slice3A = vector.extract_strided_slice %get3A_9 {offsets = [0, 0], sizes = [1, 128], strides = [1, 1]} : vector<128x128xf32> to vector<1x128xf32>
    %slice3A_29 = vector.extract_strided_slice %get3A_9 {offsets = [0, 0], sizes = [127, 128], strides = [1, 1]} : vector<128x128xf32> to vector<127x128xf32>
    %concatenate3A = tpu.concatenate %slice3A, %slice3A_29 in 0 : vector<1x128xf32>, vector<127x128xf32> -> vector<128x128xf32>
    %slice3A_30 = vector.extract_strided_slice %get3A_9 {offsets = [1, 0], sizes = [127, 128], strides = [1, 1]} : vector<128x128xf32> to vector<127x128xf32>
    %slice3A_31 = vector.extract_strided_slice %get3A_9 {offsets = [127, 0], sizes = [1, 128], strides = [1, 1]} : vector<128x128xf32> to vector<1x128xf32>
    %concatenate3A_32 = tpu.concatenate %slice3A_30, %slice3A_31 in 0 : vector<127x128xf32>, vector<1x128xf32> -> vector<128x128xf32>
    %mul3A_33 = arith.constant 3.750000e-01 : f32
    %mul3A_34 = vector.broadcast %mul3A_33 : f32 to vector<128x128xf32>
    %mul3A_35 = arith.mulf %mul3A_34, %concatenate3A : vector<128x128xf32>
    %mul3A_36 = arith.constant 6.250000e-01 : f32
    %mul3A_37 = vector.broadcast %mul3A_36 : f32 to vector<128x128xf32>
    %mul3A_38 = arith.mulf %mul3A_37, %get3A_9 : vector<128x128xf32>
    %add3A_39 = arith.addf %mul3A_35, %mul3A_38 : vector<128x128xf32>
    %mul3A_40 = arith.constant 1.250000e-01 : f32
    %mul3A_41 = vector.broadcast %mul3A_40 : f32 to vector<128x128xf32>
    %mul3A_42 = arith.mulf %mul3A_41, %concatenate3A : vector<128x128xf32>
    %mul3A_43 = arith.constant 8.750000e-01 : f32
    %mul3A_44 = vector.broadcast %mul3A_43 : f32 to vector<128x128xf32>
    %mul3A_45 = arith.mulf %mul3A_44, %get3A_9 : vector<128x128xf32>
    %add3A_46 = arith.addf %mul3A_42, %mul3A_45 : vector<128x128xf32>
    %mul3A_47 = arith.constant 8.750000e-01 : f32
    %mul3A_48 = vector.broadcast %mul3A_47 : f32 to vector<128x128xf32>
    %mul3A_49 = arith.mulf %mul3A_48, %get3A_9 : vector<128x128xf32>
    %mul3A_50 = arith.constant 1.250000e-01 : f32
    %mul3A_51 = vector.broadcast %mul3A_50 : f32 to vector<128x128xf32>
    %mul3A_52 = arith.mulf %mul3A_51, %concatenate3A_32 : vector<128x128xf32>
    %add3A_53 = arith.addf %mul3A_49, %mul3A_52 : vector<128x128xf32>
    %mul3A_54 = arith.constant 6.250000e-01 : f32
    %mul3A_55 = vector.broadcast %mul3A_54 : f32 to vector<128x128xf32>
    %mul3A_56 = arith.mulf %mul3A_55, %get3A_9 : vector<128x128xf32>
    %mul3A_57 = arith.constant 3.750000e-01 : f32
    %mul3A_58 = vector.broadcast %mul3A_57 : f32 to vector<128x128xf32>
    %mul3A_59 = arith.mulf %mul3A_58, %concatenate3A_32 : vector<128x128xf32>
    %add3A_60 = arith.addf %mul3A_56, %mul3A_59 : vector<128x128xf32>
    %stack3A = vector.shape_cast %add3A_39 : vector<128x128xf32> to vector<128x1x128xf32>
    %stack3A_61 = vector.shape_cast %add3A_46 : vector<128x128xf32> to vector<128x1x128xf32>
    %stack3A_62 = vector.shape_cast %add3A_53 : vector<128x128xf32> to vector<128x1x128xf32>
    %stack3A_63 = vector.shape_cast %add3A_60 : vector<128x128xf32> to vector<128x1x128xf32>
    %stack3A_64 = tpu.concatenate %stack3A, %stack3A_61, %stack3A_62, %stack3A_63 in 1 : vector<128x1x128xf32>, vector<128x1x128xf32>, vector<128x1x128xf32>, vector<128x1x128xf32> -> vector<128x4x128xf32>
    %reshape3A = vector.shape_cast %stack3A_64 : vector<128x4x128xf32> to vector<512x128xf32>
    %convert_element_type3A_65 = arith.truncf %reshape3A : vector<512x128xf32> to vector<512x128xbf16>
    %convert_element_type3A_66 = arith.extf %convert_element_type3A_65 : vector<512x128xbf16> to vector<512x128xf32>
    %sub3A = arith.subf %reshape3A, %convert_element_type3A_66 : vector<512x128xf32>
    %convert_element_type3A_67 = arith.truncf %sub3A : vector<512x128xf32> to vector<512x128xbf16>
    %dot_general3A = arith.constant dense<0.000000e+00> : vector<512x512xf32>
    %dot_general3A_68 = tpu.matmul %convert_element_type3A_65, %get3A_3, %dot_general3A {dimension_numbers = #tpu.dot_dimension_numbers<[1], [1], [0], [0], [0, 0, 1, 0], [], []>, transpose_lhs_hint = false} : vector<512x128xbf16>, vector<512x128xbf16>, vector<512x512xf32> -> vector<512x512xf32>
    %dot_general3A_69 = arith.constant dense<0.000000e+00> : vector<512x512xf32>
    %dot_general3A_70 = tpu.matmul %convert_element_type3A_67, %get3A_3, %dot_general3A_69 {dimension_numbers = #tpu.dot_dimension_numbers<[1], [1], [0], [0], [0, 0, 1, 0], [], []>, transpose_lhs_hint = false} : vector<512x128xbf16>, vector<512x128xbf16>, vector<512x512xf32> -> vector<512x512xf32>
    %add3A_71 = arith.addf %dot_general3A_68, %dot_general3A_70 : vector<512x512xf32>
    %gt3A_72 = arith.constant 0.000000e+00 : f32
    %gt3A_73 = vector.broadcast %gt3A_72 : f32 to vector<512x512xf32>
    %gt3A_74 = arith.cmpf ogt, %add3A_71, %gt3A_73 : vector<512x512xf32>
    %swap3A = arith.constant 0 : index
    %swap3A_75 = arith.constant 0 : index
    %swap3A_76 = arith.constant 0 : index
    %swap3A_77 = vector.load %arg14[%swap3A, %swap3A_75, %swap3A_76] : memref<8x512x512xi32, #tpu.memory_space<vmem>>, vector<1x512x512xi32>
    %swap3A_78 = arith.extui %gt3A_74 : vector<512x512xi1> to vector<512x512xi32>
    %swap3A_79 = vector.shape_cast %swap3A_77 : vector<1x512x512xi32> to vector<512x512xi32>
    %swap3A_80 = vector.shape_cast %swap3A_78 : vector<512x512xi32> to vector<1x512x512xi32>
    %swap3A_81 = arith.constant dense<0> : vector<512x512xi32>
    %swap3A_82 = arith.cmpi ne, %swap3A_79, %swap3A_81 : vector<512x512xi32>
    tpu.vector_store %arg14[%swap3A, %swap3A_75, %swap3A_76], %swap3A_80 {strides = array<i32>} : memref<8x512x512xi32, #tpu.memory_space<vmem>>, vector<1x512x512xi32>,
    %convert_element_type3A_83 = arith.extui %gt3A_74 : vector<512x512xi1> to vector<512x512xi32>
    %convert_element_type3A_84 = arith.sitofp %convert_element_type3A_83 : vector<512x512xi32> to vector<512x512xf32>
    %reduce_sum3A_85 = vector.shape_cast %convert_element_type3A_84 : vector<512x512xf32> to vector<1x512x512xf32>
    %reduce_sum3A_86 = arith.constant dense<0.000000e+00> : vector<1xf32>
    %reduce_sum3A_87 = vector.multi_reduction <add>, %reduce_sum3A_85, %reduce_sum3A_86 [1, 2] : vector<1x512x512xf32> to vector<1xf32>
    %reduce_sum3A_88 = vector.shape_cast %reduce_sum3A_87 : vector<1xf32> to vector<1x1x1xf32>
    %reduce_sum3A_89 = vector.extract %reduce_sum3A_88[0, 0, 0] : f32 from vector<1x1x1xf32>
    %mul3A_90 = arith.constant 8 : i32
    %mul3A_91 = arith.muli %arg0, %mul3A_90 : i32
    %add3A_92 = arith.constant 0 : i32
    %add3A_93 = arith.addi %mul3A_91, %add3A_92 : i32
    %get3A_94 = arith.index_cast %add3A_93 : i32 to index
    %get3A_95 = memref.load %arg2[%get3A_94] : memref<400xf32, #tpu.memory_space<smem>>
    %mul3A_96 = arith.mulf %get3A_95, %div3A : f32
    %gt3A_97 = arith.constant 5.000000e+00 : f32
    %gt3A_98 = arith.cmpf ogt, %reduce_sum3A_89, %gt3A_97 : f32
    %mul3A_99 = arith.constant 8 : i32
    %mul3A_100 = arith.muli %arg0, %mul3A_99 : i32
    %add3A_101 = arith.constant 0 : i32
    %add3A_102 = arith.addi %mul3A_100, %add3A_101 : i32
    %get3A_103 = arith.index_cast %add3A_102 : i32 to index
    %get3A_104 = memref.load %arg3[%get3A_103] : memref<400xf32, #tpu.memory_space<smem>>
    %gt3A_105 = arith.constant 1.000000e+01 : f32
    %gt3A_106 = arith.cmpf ogt, %get3A_104, %gt3A_105 : f32
    %and3A = arith.andi %gt3A_98, %gt3A_106 : i1
    %gt3A_107 = arith.constant 5.000000e-02 : f32
    %gt3A_108 = arith.cmpf ogt, %mul3A_96, %gt3A_107 : f32
    %and3A_109 = arith.andi %and3A, %gt3A_108 : i1
    %broadcast_in_dim3A = vector.broadcast %mul3A_96 : f32 to vector<128xf32>
    %mul3A_110 = arith.constant 8 : i32
    %mul3A_111 = arith.muli %arg0, %mul3A_110 : i32
    %add3A_112 = arith.constant 0 : i32
    %add3A_113 = arith.addi %mul3A_111, %add3A_112 : i32
    %swap3A_114 = arith.index_cast %add3A_113 : i32 to index
    %swap3A_115 = arith.constant 0 : index
    %swap3A_116 = arith.constant 0 : index
    %swap3A_117 = vector.load %arg15[%swap3A_114, %swap3A_115, %swap3A_116] : memref<400x1x128xf32, #tpu.memory_space<vmem>>, vector<1x1x128xf32>
    %swap3A_118 = vector.shape_cast %swap3A_117 : vector<1x1x128xf32> to vector<128xf32>
    %swap3A_119 = vector.shape_cast %broadcast_in_dim3A : vector<128xf32> to vector<1x1x128xf32>
    tpu.vector_store %arg15[%swap3A_114, %swap3A_115, %swap3A_116], %swap3A_119 {strides = array<i32>} : memref<400x1x128xf32, #tpu.memory_space<vmem>>, vector<1x1x128xf32>,
    %broadcast_in_dim3A_120 = vector.broadcast %and3A_109 : i1 to vector<128xi1>
    %mul3A_121 = arith.constant 8 : i32
    %mul3A_122 = arith.muli %arg0, %mul3A_121 : i32
    %add3A_123 = arith.constant 0 : i32
    %add3A_124 = arith.addi %mul3A_122, %add3A_123 : i32
    %swap3A_125 = arith.index_cast %add3A_124 : i32 to index
    %swap3A_126 = arith.constant 0 : index
    %swap3A_127 = arith.constant 0 : index
    %swap3A_128 = vector.load %arg16[%swap3A_125, %swap3A_126, %swap3A_127] : memref<400x1x128xi32, #tpu.memory_space<vmem>>, vector<1x1x128xi32>
    %swap3A_129 = arith.extui %broadcast_in_dim3A_120 : vector<128xi1> to vector<128xi32>
    %swap3A_130 = vector.shape_cast %swap3A_128 : vector<1x1x128xi32> to vector<128xi32>
    %swap3A_131 = vector.shape_cast %swap3A_129 : vector<128xi32> to vector<1x1x128xi32>
    %swap3A_132 = arith.constant dense<0> : vector<128xi32>
    %swap3A_133 = arith.cmpi ne, %swap3A_130, %swap3A_132 : vector<128xi32>
    tpu.vector_store %arg16[%swap3A_125, %swap3A_126, %swap3A_127], %swap3A_131 {strides = array<i32>} : memref<400x1x128xi32, #tpu.memory_space<vmem>>, vector<1x1x128xi32>,
    %get3A_134 = arith.constant 0 : index
    %get3A_135 = arith.constant 0 : index
    %get3A_136 = arith.constant 0 : index
    %get3A_137 = arith.constant 0 : index
    %get3A_138 = vector.load %arg5[%get3A_134, %get3A_135, %get3A_136, %get3A_137] : memref<1x1x128x128xf32, #tpu.memory_space<vmem>>, vector<1x1x128x128xf32>
    %get3A_139 = vector.shape_cast %get3A_138 : vector<1x1x128x128xf32> to vector<128x128xf32>
    %gt3A_140 = arith.constant 0.000000e+00 : f32
    %gt3A_141 = vector.broadcast %gt3A_140 : f32 to vector<128x128xf32>
    %gt3A_142 = arith.cmpf ogt, %get3A_139, %gt3A_141 : vector<128x128xf32>
    %convert_element_type3A_143 = arith.extui %gt3A_142 : vector<128x128xi1> to vector<128x128xi32>
    %convert_element_type3A_144 = arith.sitofp %convert_element_type3A_143 : vector<128x128xi32> to vector<128x128xf32>
    %logistic3A_145 = arith.negf %get3A_139 : vector<128x128xf32>
    %logistic3A_146 = math.exp %logistic3A_145 : vector<128x128xf32>
    %logistic3A_147 = arith.constant 1.000000e+00 : f32
    %logistic3A_148 = vector.broadcast %logistic3A_147 : f32 to vector<128x128xf32>
    %logistic3A_149 = arith.addf %logistic3A_148, %logistic3A_146 : vector<128x128xf32>
    %logistic3A_150 = arith.divf %logistic3A_148, %logistic3A_149 : vector<128x128xf32>
    %mul3A_151 = arith.mulf %logistic3A_150, %convert_element_type3A_144 : vector<128x128xf32>
    %reduce_sum3A_152 = vector.shape_cast %mul3A_151 : vector<128x128xf32> to vector<1x128x128xf32>
    %reduce_sum3A_153 = arith.constant dense<0.000000e+00> : vector<1xf32>
    %reduce_sum3A_154 = vector.multi_reduction <add>, %reduce_sum3A_152, %reduce_sum3A_153 [1, 2] : vector<1x128x128xf32> to vector<1xf32>
    %reduce_sum3A_155 = vector.shape_cast %reduce_sum3A_154 : vector<1xf32> to vector<1x1x1xf32>
    %reduce_sum3A_156 = vector.extract %reduce_sum3A_155[0, 0, 0] : f32 from vector<1x1x1xf32>
    %reduce_sum3A_157 = vector.shape_cast %convert_element_type3A_144 : vector<128x128xf32> to vector<1x128x128xf32>
    %reduce_sum3A_158 = arith.constant dense<0.000000e+00> : vector<1xf32>
    %reduce_sum3A_159 = vector.multi_reduction <add>, %reduce_sum3A_157, %reduce_sum3A_158 [1, 2] : vector<1x128x128xf32> to vector<1xf32>
    %reduce_sum3A_160 = vector.shape_cast %reduce_sum3A_159 : vector<1xf32> to vector<1x1x1xf32>
    %reduce_sum3A_161 = vector.extract %reduce_sum3A_160[0, 0, 0] : f32 from vector<1x1x1xf32>
    %add3A_162 = arith.constant 9.99999997E-7 : f32
    %add3A_163 = arith.addf %reduce_sum3A_161, %add3A_162 : f32
    %div3A_164 = arith.divf %reduce_sum3A_156, %add3A_163 : f32
    %slice3A_165 = vector.extract_strided_slice %get3A_139 {offsets = [0, 0], sizes = [1, 128], strides = [1, 1]} : vector<128x128xf32> to vector<1x128xf32>
    %slice3A_166 = vector.extract_strided_slice %get3A_139 {offsets = [0, 0], sizes = [127, 128], strides = [1, 1]} : vector<128x128xf32> to vector<127x128xf32>
    %concatenate3A_167 = tpu.concatenate %slice3A_165, %slice3A_166 in 0 : vector<1x128xf32>, vector<127x128xf32> -> vector<128x128xf32>
    %slice3A_168 = vector.extract_strided_slice %get3A_139 {offsets = [1, 0], sizes = [127, 128], strides = [1, 1]} : vector<128x128xf32> to vector<127x128xf32>
    %slice3A_169 = vector.extract_strided_slice %get3A_139 {offsets = [127, 0], sizes = [1, 128], strides = [1, 1]} : vector<128x128xf32> to vector<1x128xf32>
    %concatenate3A_170 = tpu.concatenate %slice3A_168, %slice3A_169 in 0 : vector<127x128xf32>, vector<1x128xf32> -> vector<128x128xf32>
    %mul3A_171 = arith.constant 3.750000e-01 : f32
    %mul3A_172 = vector.broadcast %mul3A_171 : f32 to vector<128x128xf32>
    %mul3A_173 = arith.mulf %mul3A_172, %concatenate3A_167 : vector<128x128xf32>
    %mul3A_174 = arith.constant 6.250000e-01 : f32
    %mul3A_175 = vector.broadcast %mul3A_174 : f32 to vector<128x128xf32>
    %mul3A_176 = arith.mulf %mul3A_175, %get3A_139 : vector<128x128xf32>
    %add3A_177 = arith.addf %mul3A_173, %mul3A_176 : vector<128x128xf32>
    %mul3A_178 = arith.constant 1.250000e-01 : f32
    %mul3A_179 = vector.broadcast %mul3A_178 : f32 to vector<128x128xf32>
    %mul3A_180 = arith.mulf %mul3A_179, %concatenate3A_167 : vector<128x128xf32>
    %mul3A_181 = arith.constant 8.750000e-01 : f32
    %mul3A_182 = vector.broadcast %mul3A_181 : f32 to vector<128x128xf32>
    %mul3A_183 = arith.mulf %mul3A_182, %get3A_139 : vector<128x128xf32>
    %add3A_184 = arith.addf %mul3A_180, %mul3A_183 : vector<128x128xf32>
    %mul3A_185 = arith.constant 8.750000e-01 : f32
    %mul3A_186 = vector.broadcast %mul3A_185 : f32 to vector<128x128xf32>
    %mul3A_187 = arith.mulf %mul3A_186, %get3A_139 : vector<128x128xf32>
    %mul3A_188 = arith.constant 1.250000e-01 : f32
    %mul3A_189 = vector.broadcast %mul3A_188 : f32 to vector<128x128xf32>
    %mul3A_190 = arith.mulf %mul3A_189, %concatenate3A_170 : vector<128x128xf32>
    %add3A_191 = arith.addf %mul3A_187, %mul3A_190 : vector<128x128xf32>
    %mul3A_192 = arith.constant 6.250000e-01 : f32
    %mul3A_193 = vector.broadcast %mul3A_192 : f32 to vector<128x128xf32>
    %mul3A_194 = arith.mulf %mul3A_193, %get3A_139 : vector<128x128xf32>
    %mul3A_195 = arith.constant 3.750000e-01 : f32
    %mul3A_196 = vector.broadcast %mul3A_195 : f32 to vector<128x128xf32>
    %mul3A_197 = arith.mulf %mul3A_196, %concatenate3A_170 : vector<128x128xf32>
    %add3A_198 = arith.addf %mul3A_194, %mul3A_197 : vector<128x128xf32>
    %stack3A_199 = vector.shape_cast %add3A_177 : vector<128x128xf32> to vector<128x1x128xf32>
    %stack3A_200 = vector.shape_cast %add3A_184 : vector<128x128xf32> to vector<128x1x128xf32>
    %stack3A_201 = vector.shape_cast %add3A_191 : vector<128x128xf32> to vector<128x1x128xf32>
    %stack3A_202 = vector.shape_cast %add3A_198 : vector<128x128xf32> to vector<128x1x128xf32>
    %stack3A_203 = tpu.concatenate %stack3A_199, %stack3A_200, %stack3A_201, %stack3A_202 in 1 : vector<128x1x128xf32>, vector<128x1x128xf32>, vector<128x1x128xf32>, vector<128x1x128xf32> -> vector<128x4x128xf32>
    %reshape3A_204 = vector.shape_cast %stack3A_203 : vector<128x4x128xf32> to vector<512x128xf32>
    %convert_element_type3A_205 = arith.truncf %reshape3A_204 : vector<512x128xf32> to vector<512x128xbf16>
    %convert_element_type3A_206 = arith.extf %convert_element_type3A_205 : vector<512x128xbf16> to vector<512x128xf32>
    %sub3A_207 = arith.subf %reshape3A_204, %convert_element_type3A_206 : vector<512x128xf32>
    %convert_element_type3A_208 = arith.truncf %sub3A_207 : vector<512x128xf32> to vector<512x128xbf16>
    %dot_general3A_209 = arith.constant dense<0.000000e+00> : vector<512x512xf32>
    %dot_general3A_210 = tpu.matmul %convert_element_type3A_205, %get3A_3, %dot_general3A_209 {dimension_numbers = #tpu.dot_dimension_numbers<[1], [1], [0], [0], [0, 0, 1, 0], [], []>, transpose_lhs_hint = false} : vector<512x128xbf16>, vector<512x128xbf16>, vector<512x512xf32> -> vector<512x512xf32>
    %dot_general3A_211 = arith.constant dense<0.000000e+00> : vector<512x512xf32>
    %dot_general3A_212 = tpu.matmul %convert_element_type3A_208, %get3A_3, %dot_general3A_211 {dimension_numbers = #tpu.dot_dimension_numbers<[1], [1], [0], [0], [0, 0, 1, 0], [], []>, transpose_lhs_hint = false} : vector<512x128xbf16>, vector<512x128xbf16>, vector<512x512xf32> -> vector<512x512xf32>
    %add3A_213 = arith.addf %dot_general3A_210, %dot_general3A_212 : vector<512x512xf32>
    %gt3A_214 = arith.constant 0.000000e+00 : f32
    %gt3A_215 = vector.broadcast %gt3A_214 : f32 to vector<512x512xf32>
    %gt3A_216 = arith.cmpf ogt, %add3A_213, %gt3A_215 : vector<512x512xf32>
    %swap3A_217 = arith.constant 1 : index
    %swap3A_218 = arith.constant 0 : index
    %swap3A_219 = arith.constant 0 : index
    %swap3A_220 = vector.load %arg14[%swap3A_217, %swap3A_218, %swap3A_219] : memref<8x512x512xi32, #tpu.memory_space<vmem>>, vector<1x512x512xi32>
    %swap3A_221 = arith.extui %gt3A_216 : vector<512x512xi1> to vector<512x512xi32>
    %swap3A_222 = vector.shape_cast %swap3A_220 : vector<1x512x512xi32> to vector<512x512xi32>
    %swap3A_223 = vector.shape_cast %swap3A_221 : vector<512x512xi32> to vector<1x512x512xi32>
    %swap3A_224 = arith.constant dense<0> : vector<512x512xi32>
    %swap3A_225 = arith.cmpi ne, %swap3A_222, %swap3A_224 : vector<512x512xi32>
    tpu.vector_store %arg14[%swap3A_217, %swap3A_218, %swap3A_219], %swap3A_223 {strides = array<i32>} : memref<8x512x512xi32, #tpu.memory_space<vmem>>, vector<1x512x512xi32>,
    %convert_element_type3A_226 = arith.extui %gt3A_216 : vector<512x512xi1> to vector<512x512xi32>
    %convert_element_type3A_227 = arith.sitofp %convert_element_type3A_226 : vector<512x512xi32> to vector<512x512xf32>
    %reduce_sum3A_228 = vector.shape_cast %convert_element_type3A_227 : vector<512x512xf32> to vector<1x512x512xf32>
    %reduce_sum3A_229 = arith.constant dense<0.000000e+00> : vector<1xf32>
    %reduce_sum3A_230 = vector.multi_reduction <add>, %reduce_sum3A_228, %reduce_sum3A_229 [1, 2] : vector<1x512x512xf32> to vector<1xf32>
    %reduce_sum3A_231 = vector.shape_cast %reduce_sum3A_230 : vector<1xf32> to vector<1x1x1xf32>
    %reduce_sum3A_232 = vector.extract %reduce_sum3A_231[0, 0, 0] : f32 from vector<1x1x1xf32>
    %mul3A_233 = arith.constant 8 : i32
    %mul3A_234 = arith.muli %arg0, %mul3A_233 : i32
    %add3A_235 = arith.constant 1 : i32
    %add3A_236 = arith.addi %mul3A_234, %add3A_235 : i32
    %get3A_237 = arith.index_cast %add3A_236 : i32 to index
    %get3A_238 = memref.load %arg2[%get3A_237] : memref<400xf32, #tpu.memory_space<smem>>
    %mul3A_239 = arith.mulf %get3A_238, %div3A_164 : f32
    %gt3A_240 = arith.constant 5.000000e+00 : f32
    %gt3A_241 = arith.cmpf ogt, %reduce_sum3A_232, %gt3A_240 : f32
    %mul3A_242 = arith.constant 8 : i32
    %mul3A_243 = arith.muli %arg0, %mul3A_242 : i32
    %add3A_244 = arith.constant 1 : i32
    %add3A_245 = arith.addi %mul3A_243, %add3A_244 : i32
    %get3A_246 = arith.index_cast %add3A_245 : i32 to index
    %get3A_247 = memref.load %arg3[%get3A_246] : memref<400xf32, #tpu.memory_space<smem>>
    %gt3A_248 = arith.constant 1.000000e+01 : f32
    %gt3A_249 = arith.cmpf ogt, %get3A_247, %gt3A_248 : f32
    %and3A_250 = arith.andi %gt3A_241, %gt3A_249 : i1
    %gt3A_251 = arith.constant 5.000000e-02 : f32
    %gt3A_252 = arith.cmpf ogt, %mul3A_239, %gt3A_251 : f32
    %and3A_253 = arith.andi %and3A_250, %gt3A_252 : i1
    %broadcast_in_dim3A_254 = vector.broadcast %mul3A_239 : f32 to vector<128xf32>
    %mul3A_255 = arith.constant 8 : i32
    %mul3A_256 = arith.muli %arg0, %mul3A_255 : i32
    %add3A_257 = arith.constant 1 : i32
    %add3A_258 = arith.addi %mul3A_256, %add3A_257 : i32
    %swap3A_259 = arith.index_cast %add3A_258 : i32 to index
    %swap3A_260 = arith.constant 0 : index
    %swap3A_261 = arith.constant 0 : index
    %swap3A_262 = vector.load %arg15[%swap3A_259, %swap3A_260, %swap3A_261] : memref<400x1x128xf32, #tpu.memory_space<vmem>>, vector<1x1x128xf32>
    %swap3A_263 = vector.shape_cast %swap3A_262 : vector<1x1x128xf32> to vector<128xf32>
    %swap3A_264 = vector.shape_cast %broadcast_in_dim3A_254 : vector<128xf32> to vector<1x1x128xf32>
    tpu.vector_store %arg15[%swap3A_259, %swap3A_260, %swap3A_261], %swap3A_264 {strides = array<i32>} : memref<400x1x128xf32, #tpu.memory_space<vmem>>, vector<1x1x128xf32>,
    %broadcast_in_dim3A_265 = vector.broadcast %and3A_253 : i1 to vector<128xi1>
    %mul3A_266 = arith.constant 8 : i32
    %mul3A_267 = arith.muli %arg0, %mul3A_266 : i32
    %add3A_268 = arith.constant 1 : i32
    %add3A_269 = arith.addi %mul3A_267, %add3A_268 : i32
    %swap3A_270 = arith.index_cast %add3A_269 : i32 to index
    %swap3A_271 = arith.constant 0 : index
    %swap3A_272 = arith.constant 0 : index
    %swap3A_273 = vector.load %arg16[%swap3A_270, %swap3A_271, %swap3A_272] : memref<400x1x128xi32, #tpu.memory_space<vmem>>, vector<1x1x128xi32>
    %swap3A_274 = arith.extui %broadcast_in_dim3A_265 : vector<128xi1> to vector<128xi32>
    %swap3A_275 = vector.shape_cast %swap3A_273 : vector<1x1x128xi32> to vector<128xi32>
    %swap3A_276 = vector.shape_cast %swap3A_274 : vector<128xi32> to vector<1x1x128xi32>
    %swap3A_277 = arith.constant dense<0> : vector<128xi32>
    %swap3A_278 = arith.cmpi ne, %swap3A_275, %swap3A_277 : vector<128xi32>
    tpu.vector_store %arg16[%swap3A_270, %swap3A_271, %swap3A_272], %swap3A_276 {strides = array<i32>} : memref<400x1x128xi32, #tpu.memory_space<vmem>>, vector<1x1x128xi32>,
    %get3A_279 = arith.constant 0 : index
    %get3A_280 = arith.constant 0 : index
    %get3A_281 = arith.constant 0 : index
    %get3A_282 = arith.constant 0 : index
    %get3A_283 = vector.load %arg6[%get3A_279, %get3A_280, %get3A_281, %get3A_282] : memref<1x1x128x128xf32, #tpu.memory_space<vmem>>, vector<1x1x128x128xf32>
    %get3A_284 = vector.shape_cast %get3A_283 : vector<1x1x128x128xf32> to vector<128x128xf32>
    %gt3A_285 = arith.constant 0.000000e+00 : f32
    %gt3A_286 = vector.broadcast %gt3A_285 : f32 to vector<128x128xf32>
    %gt3A_287 = arith.cmpf ogt, %get3A_284, %gt3A_286 : vector<128x128xf32>
    %convert_element_type3A_288 = arith.extui %gt3A_287 : vector<128x128xi1> to vector<128x128xi32>
    %convert_element_type3A_289 = arith.sitofp %convert_element_type3A_288 : vector<128x128xi32> to vector<128x128xf32>
    %logistic3A_290 = arith.negf %get3A_284 : vector<128x128xf32>
    %logistic3A_291 = math.exp %logistic3A_290 : vector<128x128xf32>
    %logistic3A_292 = arith.constant 1.000000e+00 : f32
    %logistic3A_293 = vector.broadcast %logistic3A_292 : f32 to vector<128x128xf32>
    %logistic3A_294 = arith.addf %logistic3A_293, %logistic3A_291 : vector<128x128xf32>
    %logistic3A_295 = arith.divf %logistic3A_293, %logistic3A_294 : vector<128x128xf32>
    %mul3A_296 = arith.mulf %logistic3A_295, %convert_element_type3A_289 : vector<128x128xf32>
    %reduce_sum3A_297 = vector.shape_cast %mul3A_296 : vector<128x128xf32> to vector<1x128x128xf32>
    %reduce_sum3A_298 = arith.constant dense<0.000000e+00> : vector<1xf32>
    %reduce_sum3A_299 = vector.multi_reduction <add>, %reduce_sum3A_297, %reduce_sum3A_298 [1, 2] : vector<1x128x128xf32> to vector<1xf32>
    %reduce_sum3A_300 = vector.shape_cast %reduce_sum3A_299 : vector<1xf32> to vector<1x1x1xf32>
    %reduce_sum3A_301 = vector.extract %reduce_sum3A_300[0, 0, 0] : f32 from vector<1x1x1xf32>
    %reduce_sum3A_302 = vector.shape_cast %convert_element_type3A_289 : vector<128x128xf32> to vector<1x128x128xf32>
    %reduce_sum3A_303 = arith.constant dense<0.000000e+00> : vector<1xf32>
    %reduce_sum3A_304 = vector.multi_reduction <add>, %reduce_sum3A_302, %reduce_sum3A_303 [1, 2] : vector<1x128x128xf32> to vector<1xf32>
    %reduce_sum3A_305 = vector.shape_cast %reduce_sum3A_304 : vector<1xf32> to vector<1x1x1xf32>
    %reduce_sum3A_306 = vector.extract %reduce_sum3A_305[0, 0, 0] : f32 from vector<1x1x1xf32>
    %add3A_307 = arith.constant 9.99999997E-7 : f32
    %add3A_308 = arith.addf %reduce_sum3A_306, %add3A_307 : f32
    %div3A_309 = arith.divf %reduce_sum3A_301, %add3A_308 : f32
    %slice3A_310 = vector.extract_strided_slice %get3A_284 {offsets = [0, 0], sizes = [1, 128], strides = [1, 1]} : vector<128x128xf32> to vector<1x128xf32>
    %slice3A_311 = vector.extract_strided_slice %get3A_284 {offsets = [0, 0], sizes = [127, 128], strides = [1, 1]} : vector<128x128xf32> to vector<127x128xf32>
    %concatenate3A_312 = tpu.concatenate %slice3A_310, %slice3A_311 in 0 : vector<1x128xf32>, vector<127x128xf32> -> vector<128x128xf32>
    %slice3A_313 = vector.extract_strided_slice %get3A_284 {offsets = [1, 0], sizes = [127, 128], strides = [1, 1]} : vector<128x128xf32> to vector<127x128xf32>
    %slice3A_314 = vector.extract_strided_slice %get3A_284 {offsets = [127, 0], sizes = [1, 128], strides = [1, 1]} : vector<128x128xf32> to vector<1x128xf32>
    %concatenate3A_315 = tpu.concatenate %slice3A_313, %slice3A_314 in 0 : vector<127x128xf32>, vector<1x128xf32> -> vector<128x128xf32>
    %mul3A_316 = arith.constant 3.750000e-01 : f32
    %mul3A_317 = vector.broadcast %mul3A_316 : f32 to vector<128x128xf32>
    %mul3A_318 = arith.mulf %mul3A_317, %concatenate3A_312 : vector<128x128xf32>
    %mul3A_319 = arith.constant 6.250000e-01 : f32
    %mul3A_320 = vector.broadcast %mul3A_319 : f32 to vector<128x128xf32>
    %mul3A_321 = arith.mulf %mul3A_320, %get3A_284 : vector<128x128xf32>
    %add3A_322 = arith.addf %mul3A_318, %mul3A_321 : vector<128x128xf32>
    %mul3A_323 = arith.constant 1.250000e-01 : f32
    %mul3A_324 = vector.broadcast %mul3A_323 : f32 to vector<128x128xf32>
    %mul3A_325 = arith.mulf %mul3A_324, %concatenate3A_312 : vector<128x128xf32>
    %mul3A_326 = arith.constant 8.750000e-01 : f32
    %mul3A_327 = vector.broadcast %mul3A_326 : f32 to vector<128x128xf32>
    %mul3A_328 = arith.mulf %mul3A_327, %get3A_284 : vector<128x128xf32>
    %add3A_329 = arith.addf %mul3A_325, %mul3A_328 : vector<128x128xf32>
    %mul3A_330 = arith.constant 8.750000e-01 : f32
    %mul3A_331 = vector.broadcast %mul3A_330 : f32 to vector<128x128xf32>
    %mul3A_332 = arith.mulf %mul3A_331, %get3A_284 : vector<128x128xf32>
    %mul3A_333 = arith.constant 1.250000e-01 : f32
    %mul3A_334 = vector.broadcast %mul3A_333 : f32 to vector<128x128xf32>
    %mul3A_335 = arith.mulf %mul3A_334, %concatenate3A_315 : vector<128x128xf32>
    %add3A_336 = arith.addf %mul3A_332, %mul3A_335 : vector<128x128xf32>
    %mul3A_337 = arith.constant 6.250000e-01 : f32
    %mul3A_338 = vector.broadcast %mul3A_337 : f32 to vector<128x128xf32>
    %mul3A_339 = arith.mulf %mul3A_338, %get3A_284 : vector<128x128xf32>
    %mul3A_340 = arith.constant 3.750000e-01 : f32
    %mul3A_341 = vector.broadcast %mul3A_340 : f32 to vector<128x128xf32>
    %mul3A_342 = arith.mulf %mul3A_341, %concatenate3A_315 : vector<128x128xf32>
    %add3A_343 = arith.addf %mul3A_339, %mul3A_342 : vector<128x128xf32>
    %stack3A_344 = vector.shape_cast %add3A_322 : vector<128x128xf32> to vector<128x1x128xf32>
    %stack3A_345 = vector.shape_cast %add3A_329 : vector<128x128xf32> to vector<128x1x128xf32>
    %stack3A_346 = vector.shape_cast %add3A_336 : vector<128x128xf32> to vector<128x1x128xf32>
    %stack3A_347 = vector.shape_cast %add3A_343 : vector<128x128xf32> to vector<128x1x128xf32>
    %stack3A_348 = tpu.concatenate %stack3A_344, %stack3A_345, %stack3A_346, %stack3A_347 in 1 : vector<128x1x128xf32>, vector<128x1x128xf32>, vector<128x1x128xf32>, vector<128x1x128xf32> -> vector<128x4x128xf32>
    %reshape3A_349 = vector.shape_cast %stack3A_348 : vector<128x4x128xf32> to vector<512x128xf32>
    %convert_element_type3A_350 = arith.truncf %reshape3A_349 : vector<512x128xf32> to vector<512x128xbf16>
    %convert_element_type3A_351 = arith.extf %convert_element_type3A_350 : vector<512x128xbf16> to vector<512x128xf32>
    %sub3A_352 = arith.subf %reshape3A_349, %convert_element_type3A_351 : vector<512x128xf32>
    %convert_element_type3A_353 = arith.truncf %sub3A_352 : vector<512x128xf32> to vector<512x128xbf16>
    %dot_general3A_354 = arith.constant dense<0.000000e+00> : vector<512x512xf32>
    %dot_general3A_355 = tpu.matmul %convert_element_type3A_350, %get3A_3, %dot_general3A_354 {dimension_numbers = #tpu.dot_dimension_numbers<[1], [1], [0], [0], [0, 0, 1, 0], [], []>, transpose_lhs_hint = false} : vector<512x128xbf16>, vector<512x128xbf16>, vector<512x512xf32> -> vector<512x512xf32>
    %dot_general3A_356 = arith.constant dense<0.000000e+00> : vector<512x512xf32>
    %dot_general3A_357 = tpu.matmul %convert_element_type3A_353, %get3A_3, %dot_general3A_356 {dimension_numbers = #tpu.dot_dimension_numbers<[1], [1], [0], [0], [0, 0, 1, 0], [], []>, transpose_lhs_hint = false} : vector<512x128xbf16>, vector<512x128xbf16>, vector<512x512xf32> -> vector<512x512xf32>
    %add3A_358 = arith.addf %dot_general3A_355, %dot_general3A_357 : vector<512x512xf32>
    %gt3A_359 = arith.constant 0.000000e+00 : f32
    %gt3A_360 = vector.broadcast %gt3A_359 : f32 to vector<512x512xf32>
    %gt3A_361 = arith.cmpf ogt, %add3A_358, %gt3A_360 : vector<512x512xf32>
    %swap3A_362 = arith.constant 2 : index
    %swap3A_363 = arith.constant 0 : index
    %swap3A_364 = arith.constant 0 : index
    %swap3A_365 = vector.load %arg14[%swap3A_362, %swap3A_363, %swap3A_364] : memref<8x512x512xi32, #tpu.memory_space<vmem>>, vector<1x512x512xi32>
    %swap3A_366 = arith.extui %gt3A_361 : vector<512x512xi1> to vector<512x512xi32>
    %swap3A_367 = vector.shape_cast %swap3A_365 : vector<1x512x512xi32> to vector<512x512xi32>
    %swap3A_368 = vector.shape_cast %swap3A_366 : vector<512x512xi32> to vector<1x512x512xi32>
    %swap3A_369 = arith.constant dense<0> : vector<512x512xi32>
    %swap3A_370 = arith.cmpi ne, %swap3A_367, %swap3A_369 : vector<512x512xi32>
    tpu.vector_store %arg14[%swap3A_362, %swap3A_363, %swap3A_364], %swap3A_368 {strides = array<i32>} : memref<8x512x512xi32, #tpu.memory_space<vmem>>, vector<1x512x512xi32>,
    %convert_element_type3A_371 = arith.extui %gt3A_361 : vector<512x512xi1> to vector<512x512xi32>
    %convert_element_type3A_372 = arith.sitofp %convert_element_type3A_371 : vector<512x512xi32> to vector<512x512xf32>
    %reduce_sum3A_373 = vector.shape_cast %convert_element_type3A_372 : vector<512x512xf32> to vector<1x512x512xf32>
    %reduce_sum3A_374 = arith.constant dense<0.000000e+00> : vector<1xf32>
    %reduce_sum3A_375 = vector.multi_reduction <add>, %reduce_sum3A_373, %reduce_sum3A_374 [1, 2] : vector<1x512x512xf32> to vector<1xf32>
    %reduce_sum3A_376 = vector.shape_cast %reduce_sum3A_375 : vector<1xf32> to vector<1x1x1xf32>
    %reduce_sum3A_377 = vector.extract %reduce_sum3A_376[0, 0, 0] : f32 from vector<1x1x1xf32>
    %mul3A_378 = arith.constant 8 : i32
    %mul3A_379 = arith.muli %arg0, %mul3A_378 : i32
    %add3A_380 = arith.constant 2 : i32
    %add3A_381 = arith.addi %mul3A_379, %add3A_380 : i32
    %get3A_382 = arith.index_cast %add3A_381 : i32 to index
    %get3A_383 = memref.load %arg2[%get3A_382] : memref<400xf32, #tpu.memory_space<smem>>
    %mul3A_384 = arith.mulf %get3A_383, %div3A_309 : f32
    %gt3A_385 = arith.constant 5.000000e+00 : f32
    %gt3A_386 = arith.cmpf ogt, %reduce_sum3A_377, %gt3A_385 : f32
    %mul3A_387 = arith.constant 8 : i32
    %mul3A_388 = arith.muli %arg0, %mul3A_387 : i32
    %add3A_389 = arith.constant 2 : i32
    %add3A_390 = arith.addi %mul3A_388, %add3A_389 : i32
    %get3A_391 = arith.index_cast %add3A_390 : i32 to index
    %get3A_392 = memref.load %arg3[%get3A_391] : memref<400xf32, #tpu.memory_space<smem>>
    %gt3A_393 = arith.constant 1.000000e+01 : f32
    %gt3A_394 = arith.cmpf ogt, %get3A_392, %gt3A_393 : f32
    %and3A_395 = arith.andi %gt3A_386, %gt3A_394 : i1
    %gt3A_396 = arith.constant 5.000000e-02 : f32
    %gt3A_397 = arith.cmpf ogt, %mul3A_384, %gt3A_396 : f32
    %and3A_398 = arith.andi %and3A_395, %gt3A_397 : i1
    %broadcast_in_dim3A_399 = vector.broadcast %mul3A_384 : f32 to vector<128xf32>
    %mul3A_400 = arith.constant 8 : i32
    %mul3A_401 = arith.muli %arg0, %mul3A_400 : i32
    %add3A_402 = arith.constant 2 : i32
    %add3A_403 = arith.addi %mul3A_401, %add3A_402 : i32
    %swap3A_404 = arith.index_cast %add3A_403 : i32 to index
    %swap3A_405 = arith.constant 0 : index
    %swap3A_406 = arith.constant 0 : index
    %swap3A_407 = vector.load %arg15[%swap3A_404, %swap3A_405, %swap3A_406] : memref<400x1x128xf32, #tpu.memory_space<vmem>>, vector<1x1x128xf32>
    %swap3A_408 = vector.shape_cast %swap3A_407 : vector<1x1x128xf32> to vector<128xf32>
    %swap3A_409 = vector.shape_cast %broadcast_in_dim3A_399 : vector<128xf32> to vector<1x1x128xf32>
    tpu.vector_store %arg15[%swap3A_404, %swap3A_405, %swap3A_406], %swap3A_409 {strides = array<i32>} : memref<400x1x128xf32, #tpu.memory_space<vmem>>, vector<1x1x128xf32>,
    %broadcast_in_dim3A_410 = vector.broadcast %and3A_398 : i1 to vector<128xi1>
    %mul3A_411 = arith.constant 8 : i32
    %mul3A_412 = arith.muli %arg0, %mul3A_411 : i32
    %add3A_413 = arith.constant 2 : i32
    %add3A_414 = arith.addi %mul3A_412, %add3A_413 : i32
    %swap3A_415 = arith.index_cast %add3A_414 : i32 to index
    %swap3A_416 = arith.constant 0 : index
    %swap3A_417 = arith.constant 0 : index
    %swap3A_418 = vector.load %arg16[%swap3A_415, %swap3A_416, %swap3A_417] : memref<400x1x128xi32, #tpu.memory_space<vmem>>, vector<1x1x128xi32>
    %swap3A_419 = arith.extui %broadcast_in_dim3A_410 : vector<128xi1> to vector<128xi32>
    %swap3A_420 = vector.shape_cast %swap3A_418 : vector<1x1x128xi32> to vector<128xi32>
    %swap3A_421 = vector.shape_cast %swap3A_419 : vector<128xi32> to vector<1x1x128xi32>
    %swap3A_422 = arith.constant dense<0> : vector<128xi32>
    %swap3A_423 = arith.cmpi ne, %swap3A_420, %swap3A_422 : vector<128xi32>
    tpu.vector_store %arg16[%swap3A_415, %swap3A_416, %swap3A_417], %swap3A_421 {strides = array<i32>} : memref<400x1x128xi32, #tpu.memory_space<vmem>>, vector<1x1x128xi32>,
    %get3A_424 = arith.constant 0 : index
    %get3A_425 = arith.constant 0 : index
    %get3A_426 = arith.constant 0 : index
    %get3A_427 = arith.constant 0 : index
    %get3A_428 = vector.load %arg7[%get3A_424, %get3A_425, %get3A_426, %get3A_427] : memref<1x1x128x128xf32, #tpu.memory_space<vmem>>, vector<1x1x128x128xf32>
    %get3A_429 = vector.shape_cast %get3A_428 : vector<1x1x128x128xf32> to vector<128x128xf32>
    %gt3A_430 = arith.constant 0.000000e+00 : f32
    %gt3A_431 = vector.broadcast %gt3A_430 : f32 to vector<128x128xf32>
    %gt3A_432 = arith.cmpf ogt, %get3A_429, %gt3A_431 : vector<128x128xf32>
    %convert_element_type3A_433 = arith.extui %gt3A_432 : vector<128x128xi1> to vector<128x128xi32>
    %convert_element_type3A_434 = arith.sitofp %convert_element_type3A_433 : vector<128x128xi32> to vector<128x128xf32>
    %logistic3A_435 = arith.negf %get3A_429 : vector<128x128xf32>
    %logistic3A_436 = math.exp %logistic3A_435 : vector<128x128xf32>
    %logistic3A_437 = arith.constant 1.000000e+00 : f32
    %logistic3A_438 = vector.broadcast %logistic3A_437 : f32 to vector<128x128xf32>
    %logistic3A_439 = arith.addf %logistic3A_438, %logistic3A_436 : vector<128x128xf32>
    %logistic3A_440 = arith.divf %logistic3A_438, %logistic3A_439 : vector<128x128xf32>
    %mul3A_441 = arith.mulf %logistic3A_440, %convert_element_type3A_434 : vector<128x128xf32>
    %reduce_sum3A_442 = vector.shape_cast %mul3A_441 : vector<128x128xf32> to vector<1x128x128xf32>
    %reduce_sum3A_443 = arith.constant dense<0.000000e+00> : vector<1xf32>
    %reduce_sum3A_444 = vector.multi_reduction <add>, %reduce_sum3A_442, %reduce_sum3A_443 [1, 2] : vector<1x128x128xf32> to vector<1xf32>
    %reduce_sum3A_445 = vector.shape_cast %reduce_sum3A_444 : vector<1xf32> to vector<1x1x1xf32>
    %reduce_sum3A_446 = vector.extract %reduce_sum3A_445[0, 0, 0] : f32 from vector<1x1x1xf32>
    %reduce_sum3A_447 = vector.shape_cast %convert_element_type3A_434 : vector<128x128xf32> to vector<1x128x128xf32>
    %reduce_sum3A_448 = arith.constant dense<0.000000e+00> : vector<1xf32>
    %reduce_sum3A_449 = vector.multi_reduction <add>, %reduce_sum3A_447, %reduce_sum3A_448 [1, 2] : vector<1x128x128xf32> to vector<1xf32>
    %reduce_sum3A_450 = vector.shape_cast %reduce_sum3A_449 : vector<1xf32> to vector<1x1x1xf32>
    %reduce_sum3A_451 = vector.extract %reduce_sum3A_450[0, 0, 0] : f32 from vector<1x1x1xf32>
    %add3A_452 = arith.constant 9.99999997E-7 : f32
    %add3A_453 = arith.addf %reduce_sum3A_451, %add3A_452 : f32
    %div3A_454 = arith.divf %reduce_sum3A_446, %add3A_453 : f32
    %slice3A_455 = vector.extract_strided_slice %get3A_429 {offsets = [0, 0], sizes = [1, 128], strides = [1, 1]} : vector<128x128xf32> to vector<1x128xf32>
    %slice3A_456 = vector.extract_strided_slice %get3A_429 {offsets = [0, 0], sizes = [127, 128], strides = [1, 1]} : vector<128x128xf32> to vector<127x128xf32>
    %concatenate3A_457 = tpu.concatenate %slice3A_455, %slice3A_456 in 0 : vector<1x128xf32>, vector<127x128xf32> -> vector<128x128xf32>
    %slice3A_458 = vector.extract_strided_slice %get3A_429 {offsets = [1, 0], sizes = [127, 128], strides = [1, 1]} : vector<128x128xf32> to vector<127x128xf32>
    %slice3A_459 = vector.extract_strided_slice %get3A_429 {offsets = [127, 0], sizes = [1, 128], strides = [1, 1]} : vector<128x128xf32> to vector<1x128xf32>
    %concatenate3A_460 = tpu.concatenate %slice3A_458, %slice3A_459 in 0 : vector<127x128xf32>, vector<1x128xf32> -> vector<128x128xf32>
    %mul3A_461 = arith.constant 3.750000e-01 : f32
    %mul3A_462 = vector.broadcast %mul3A_461 : f32 to vector<128x128xf32>
    %mul3A_463 = arith.mulf %mul3A_462, %concatenate3A_457 : vector<128x128xf32>
    %mul3A_464 = arith.constant 6.250000e-01 : f32
    %mul3A_465 = vector.broadcast %mul3A_464 : f32 to vector<128x128xf32>
    %mul3A_466 = arith.mulf %mul3A_465, %get3A_429 : vector<128x128xf32>
    %add3A_467 = arith.addf %mul3A_463, %mul3A_466 : vector<128x128xf32>
    %mul3A_468 = arith.constant 1.250000e-01 : f32
    %mul3A_469 = vector.broadcast %mul3A_468 : f32 to vector<128x128xf32>
    %mul3A_470 = arith.mulf %mul3A_469, %concatenate3A_457 : vector<128x128xf32>
    %mul3A_471 = arith.constant 8.750000e-01 : f32
    %mul3A_472 = vector.broadcast %mul3A_471 : f32 to vector<128x128xf32>
    %mul3A_473 = arith.mulf %mul3A_472, %get3A_429 : vector<128x128xf32>
    %add3A_474 = arith.addf %mul3A_470, %mul3A_473 : vector<128x128xf32>
    %mul3A_475 = arith.constant 8.750000e-01 : f32
    %mul3A_476 = vector.broadcast %mul3A_475 : f32 to vector<128x128xf32>
    %mul3A_477 = arith.mulf %mul3A_476, %get3A_429 : vector<128x128xf32>
    %mul3A_478 = arith.constant 1.250000e-01 : f32
    %mul3A_479 = vector.broadcast %mul3A_478 : f32 to vector<128x128xf32>
    %mul3A_480 = arith.mulf %mul3A_479, %concatenate3A_460 : vector<128x128xf32>
    %add3A_481 = arith.addf %mul3A_477, %mul3A_480 : vector<128x128xf32>
    %mul3A_482 = arith.constant 6.250000e-01 : f32
    %mul3A_483 = vector.broadcast %mul3A_482 : f32 to vector<128x128xf32>
    %mul3A_484 = arith.mulf %mul3A_483, %get3A_429 : vector<128x128xf32>
    %mul3A_485 = arith.constant 3.750000e-01 : f32
    %mul3A_486 = vector.broadcast %mul3A_485 : f32 to vector<128x128xf32>
    %mul3A_487 = arith.mulf %mul3A_486, %concatenate3A_460 : vector<128x128xf32>
    %add3A_488 = arith.addf %mul3A_484, %mul3A_487 : vector<128x128xf32>
    %stack3A_489 = vector.shape_cast %add3A_467 : vector<128x128xf32> to vector<128x1x128xf32>
    %stack3A_490 = vector.shape_cast %add3A_474 : vector<128x128xf32> to vector<128x1x128xf32>
    %stack3A_491 = vector.shape_cast %add3A_481 : vector<128x128xf32> to vector<128x1x128xf32>
    %stack3A_492 = vector.shape_cast %add3A_488 : vector<128x128xf32> to vector<128x1x128xf32>
    %stack3A_493 = tpu.concatenate %stack3A_489, %stack3A_490, %stack3A_491, %stack3A_492 in 1 : vector<128x1x128xf32>, vector<128x1x128xf32>, vector<128x1x128xf32>, vector<128x1x128xf32> -> vector<128x4x128xf32>
    %reshape3A_494 = vector.shape_cast %stack3A_493 : vector<128x4x128xf32> to vector<512x128xf32>
    %convert_element_type3A_495 = arith.truncf %reshape3A_494 : vector<512x128xf32> to vector<512x128xbf16>
    %convert_element_type3A_496 = arith.extf %convert_element_type3A_495 : vector<512x128xbf16> to vector<512x128xf32>
    %sub3A_497 = arith.subf %reshape3A_494, %convert_element_type3A_496 : vector<512x128xf32>
    %convert_element_type3A_498 = arith.truncf %sub3A_497 : vector<512x128xf32> to vector<512x128xbf16>
    %dot_general3A_499 = arith.constant dense<0.000000e+00> : vector<512x512xf32>
    %dot_general3A_500 = tpu.matmul %convert_element_type3A_495, %get3A_3, %dot_general3A_499 {dimension_numbers = #tpu.dot_dimension_numbers<[1], [1], [0], [0], [0, 0, 1, 0], [], []>, transpose_lhs_hint = false} : vector<512x128xbf16>, vector<512x128xbf16>, vector<512x512xf32> -> vector<512x512xf32>
    %dot_general3A_501 = arith.constant dense<0.000000e+00> : vector<512x512xf32>
    %dot_general3A_502 = tpu.matmul %convert_element_type3A_498, %get3A_3, %dot_general3A_501 {dimension_numbers = #tpu.dot_dimension_numbers<[1], [1], [0], [0], [0, 0, 1, 0], [], []>, transpose_lhs_hint = false} : vector<512x128xbf16>, vector<512x128xbf16>, vector<512x512xf32> -> vector<512x512xf32>
    %add3A_503 = arith.addf %dot_general3A_500, %dot_general3A_502 : vector<512x512xf32>
    %gt3A_504 = arith.constant 0.000000e+00 : f32
    %gt3A_505 = vector.broadcast %gt3A_504 : f32 to vector<512x512xf32>
    %gt3A_506 = arith.cmpf ogt, %add3A_503, %gt3A_505 : vector<512x512xf32>
    %swap3A_507 = arith.constant 3 : index
    %swap3A_508 = arith.constant 0 : index
    %swap3A_509 = arith.constant 0 : index
    %swap3A_510 = vector.load %arg14[%swap3A_507, %swap3A_508, %swap3A_509] : memref<8x512x512xi32, #tpu.memory_space<vmem>>, vector<1x512x512xi32>
    %swap3A_511 = arith.extui %gt3A_506 : vector<512x512xi1> to vector<512x512xi32>
    %swap3A_512 = vector.shape_cast %swap3A_510 : vector<1x512x512xi32> to vector<512x512xi32>
    %swap3A_513 = vector.shape_cast %swap3A_511 : vector<512x512xi32> to vector<1x512x512xi32>
    %swap3A_514 = arith.constant dense<0> : vector<512x512xi32>
    %swap3A_515 = arith.cmpi ne, %swap3A_512, %swap3A_514 : vector<512x512xi32>
    tpu.vector_store %arg14[%swap3A_507, %swap3A_508, %swap3A_509], %swap3A_513 {strides = array<i32>} : memref<8x512x512xi32, #tpu.memory_space<vmem>>, vector<1x512x512xi32>,
    %convert_element_type3A_516 = arith.extui %gt3A_506 : vector<512x512xi1> to vector<512x512xi32>
    %convert_element_type3A_517 = arith.sitofp %convert_element_type3A_516 : vector<512x512xi32> to vector<512x512xf32>
    %reduce_sum3A_518 = vector.shape_cast %convert_element_type3A_517 : vector<512x512xf32> to vector<1x512x512xf32>
    %reduce_sum3A_519 = arith.constant dense<0.000000e+00> : vector<1xf32>
    %reduce_sum3A_520 = vector.multi_reduction <add>, %reduce_sum3A_518, %reduce_sum3A_519 [1, 2] : vector<1x512x512xf32> to vector<1xf32>
    %reduce_sum3A_521 = vector.shape_cast %reduce_sum3A_520 : vector<1xf32> to vector<1x1x1xf32>
    %reduce_sum3A_522 = vector.extract %reduce_sum3A_521[0, 0, 0] : f32 from vector<1x1x1xf32>
    %mul3A_523 = arith.constant 8 : i32
    %mul3A_524 = arith.muli %arg0, %mul3A_523 : i32
    %add3A_525 = arith.constant 3 : i32
    %add3A_526 = arith.addi %mul3A_524, %add3A_525 : i32
    %get3A_527 = arith.index_cast %add3A_526 : i32 to index
    %get3A_528 = memref.load %arg2[%get3A_527] : memref<400xf32, #tpu.memory_space<smem>>
    %mul3A_529 = arith.mulf %get3A_528, %div3A_454 : f32
    %gt3A_530 = arith.constant 5.000000e+00 : f32
    %gt3A_531 = arith.cmpf ogt, %reduce_sum3A_522, %gt3A_530 : f32
    %mul3A_532 = arith.constant 8 : i32
    %mul3A_533 = arith.muli %arg0, %mul3A_532 : i32
    %add3A_534 = arith.constant 3 : i32
    %add3A_535 = arith.addi %mul3A_533, %add3A_534 : i32
    %get3A_536 = arith.index_cast %add3A_535 : i32 to index
    %get3A_537 = memref.load %arg3[%get3A_536] : memref<400xf32, #tpu.memory_space<smem>>
    %gt3A_538 = arith.constant 1.000000e+01 : f32
    %gt3A_539 = arith.cmpf ogt, %get3A_537, %gt3A_538 : f32
    %and3A_540 = arith.andi %gt3A_531, %gt3A_539 : i1
    %gt3A_541 = arith.constant 5.000000e-02 : f32
    %gt3A_542 = arith.cmpf ogt, %mul3A_529, %gt3A_541 : f32
    %and3A_543 = arith.andi %and3A_540, %gt3A_542 : i1
    %broadcast_in_dim3A_544 = vector.broadcast %mul3A_529 : f32 to vector<128xf32>
    %mul3A_545 = arith.constant 8 : i32
    %mul3A_546 = arith.muli %arg0, %mul3A_545 : i32
    %add3A_547 = arith.constant 3 : i32
    %add3A_548 = arith.addi %mul3A_546, %add3A_547 : i32
    %swap3A_549 = arith.index_cast %add3A_548 : i32 to index
    %swap3A_550 = arith.constant 0 : index
    %swap3A_551 = arith.constant 0 : index
    %swap3A_552 = vector.load %arg15[%swap3A_549, %swap3A_550, %swap3A_551] : memref<400x1x128xf32, #tpu.memory_space<vmem>>, vector<1x1x128xf32>
    %swap3A_553 = vector.shape_cast %swap3A_552 : vector<1x1x128xf32> to vector<128xf32>
    %swap3A_554 = vector.shape_cast %broadcast_in_dim3A_544 : vector<128xf32> to vector<1x1x128xf32>
    tpu.vector_store %arg15[%swap3A_549, %swap3A_550, %swap3A_551], %swap3A_554 {strides = array<i32>} : memref<400x1x128xf32, #tpu.memory_space<vmem>>, vector<1x1x128xf32>,
    %broadcast_in_dim3A_555 = vector.broadcast %and3A_543 : i1 to vector<128xi1>
    %mul3A_556 = arith.constant 8 : i32
    %mul3A_557 = arith.muli %arg0, %mul3A_556 : i32
    %add3A_558 = arith.constant 3 : i32
    %add3A_559 = arith.addi %mul3A_557, %add3A_558 : i32
    %swap3A_560 = arith.index_cast %add3A_559 : i32 to index
    %swap3A_561 = arith.constant 0 : index
    %swap3A_562 = arith.constant 0 : index
    %swap3A_563 = vector.load %arg16[%swap3A_560, %swap3A_561, %swap3A_562] : memref<400x1x128xi32, #tpu.memory_space<vmem>>, vector<1x1x128xi32>
    %swap3A_564 = arith.extui %broadcast_in_dim3A_555 : vector<128xi1> to vector<128xi32>
    %swap3A_565 = vector.shape_cast %swap3A_563 : vector<1x1x128xi32> to vector<128xi32>
    %swap3A_566 = vector.shape_cast %swap3A_564 : vector<128xi32> to vector<1x1x128xi32>
    %swap3A_567 = arith.constant dense<0> : vector<128xi32>
    %swap3A_568 = arith.cmpi ne, %swap3A_565, %swap3A_567 : vector<128xi32>
    tpu.vector_store %arg16[%swap3A_560, %swap3A_561, %swap3A_562], %swap3A_566 {strides = array<i32>} : memref<400x1x128xi32, #tpu.memory_space<vmem>>, vector<1x1x128xi32>,
    %get3A_569 = arith.constant 0 : index
    %get3A_570 = arith.constant 0 : index
    %get3A_571 = arith.constant 0 : index
    %get3A_572 = arith.constant 0 : index
    %get3A_573 = vector.load %arg8[%get3A_569, %get3A_570, %get3A_571, %get3A_572] : memref<1x1x128x128xf32, #tpu.memory_space<vmem>>, vector<1x1x128x128xf32>
    %get3A_574 = vector.shape_cast %get3A_573 : vector<1x1x128x128xf32> to vector<128x128xf32>
    %gt3A_575 = arith.constant 0.000000e+00 : f32
    %gt3A_576 = vector.broadcast %gt3A_575 : f32 to vector<128x128xf32>
    %gt3A_577 = arith.cmpf ogt, %get3A_574, %gt3A_576 : vector<128x128xf32>
    %convert_element_type3A_578 = arith.extui %gt3A_577 : vector<128x128xi1> to vector<128x128xi32>
    %convert_element_type3A_579 = arith.sitofp %convert_element_type3A_578 : vector<128x128xi32> to vector<128x128xf32>
    %logistic3A_580 = arith.negf %get3A_574 : vector<128x128xf32>
    %logistic3A_581 = math.exp %logistic3A_580 : vector<128x128xf32>
    %logistic3A_582 = arith.constant 1.000000e+00 : f32
    %logistic3A_583 = vector.broadcast %logistic3A_582 : f32 to vector<128x128xf32>
    %logistic3A_584 = arith.addf %logistic3A_583, %logistic3A_581 : vector<128x128xf32>
    %logistic3A_585 = arith.divf %logistic3A_583, %logistic3A_584 : vector<128x128xf32>
    %mul3A_586 = arith.mulf %logistic3A_585, %convert_element_type3A_579 : vector<128x128xf32>
    %reduce_sum3A_587 = vector.shape_cast %mul3A_586 : vector<128x128xf32> to vector<1x128x128xf32>
    %reduce_sum3A_588 = arith.constant dense<0.000000e+00> : vector<1xf32>
    %reduce_sum3A_589 = vector.multi_reduction <add>, %reduce_sum3A_587, %reduce_sum3A_588 [1, 2] : vector<1x128x128xf32> to vector<1xf32>
    %reduce_sum3A_590 = vector.shape_cast %reduce_sum3A_589 : vector<1xf32> to vector<1x1x1xf32>
    %reduce_sum3A_591 = vector.extract %reduce_sum3A_590[0, 0, 0] : f32 from vector<1x1x1xf32>
    %reduce_sum3A_592 = vector.shape_cast %convert_element_type3A_579 : vector<128x128xf32> to vector<1x128x128xf32>
    %reduce_sum3A_593 = arith.constant dense<0.000000e+00> : vector<1xf32>
    %reduce_sum3A_594 = vector.multi_reduction <add>, %reduce_sum3A_592, %reduce_sum3A_593 [1, 2] : vector<1x128x128xf32> to vector<1xf32>
    %reduce_sum3A_595 = vector.shape_cast %reduce_sum3A_594 : vector<1xf32> to vector<1x1x1xf32>
    %reduce_sum3A_596 = vector.extract %reduce_sum3A_595[0, 0, 0] : f32 from vector<1x1x1xf32>
    %add3A_597 = arith.constant 9.99999997E-7 : f32
    %add3A_598 = arith.addf %reduce_sum3A_596, %add3A_597 : f32
    %div3A_599 = arith.divf %reduce_sum3A_591, %add3A_598 : f32
    %slice3A_600 = vector.extract_strided_slice %get3A_574 {offsets = [0, 0], sizes = [1, 128], strides = [1, 1]} : vector<128x128xf32> to vector<1x128xf32>
    %slice3A_601 = vector.extract_strided_slice %get3A_574 {offsets = [0, 0], sizes = [127, 128], strides = [1, 1]} : vector<128x128xf32> to vector<127x128xf32>
    %concatenate3A_602 = tpu.concatenate %slice3A_600, %slice3A_601 in 0 : vector<1x128xf32>, vector<127x128xf32> -> vector<128x128xf32>
    %slice3A_603 = vector.extract_strided_slice %get3A_574 {offsets = [1, 0], sizes = [127, 128], strides = [1, 1]} : vector<128x128xf32> to vector<127x128xf32>
    %slice3A_604 = vector.extract_strided_slice %get3A_574 {offsets = [127, 0], sizes = [1, 128], strides = [1, 1]} : vector<128x128xf32> to vector<1x128xf32>
    %concatenate3A_605 = tpu.concatenate %slice3A_603, %slice3A_604 in 0 : vector<127x128xf32>, vector<1x128xf32> -> vector<128x128xf32>
    %mul3A_606 = arith.constant 3.750000e-01 : f32
    %mul3A_607 = vector.broadcast %mul3A_606 : f32 to vector<128x128xf32>
    %mul3A_608 = arith.mulf %mul3A_607, %concatenate3A_602 : vector<128x128xf32>
    %mul3A_609 = arith.constant 6.250000e-01 : f32
    %mul3A_610 = vector.broadcast %mul3A_609 : f32 to vector<128x128xf32>
    %mul3A_611 = arith.mulf %mul3A_610, %get3A_574 : vector<128x128xf32>
    %add3A_612 = arith.addf %mul3A_608, %mul3A_611 : vector<128x128xf32>
    %mul3A_613 = arith.constant 1.250000e-01 : f32
    %mul3A_614 = vector.broadcast %mul3A_613 : f32 to vector<128x128xf32>
    %mul3A_615 = arith.mulf %mul3A_614, %concatenate3A_602 : vector<128x128xf32>
    %mul3A_616 = arith.constant 8.750000e-01 : f32
    %mul3A_617 = vector.broadcast %mul3A_616 : f32 to vector<128x128xf32>
    %mul3A_618 = arith.mulf %mul3A_617, %get3A_574 : vector<128x128xf32>
    %add3A_619 = arith.addf %mul3A_615, %mul3A_618 : vector<128x128xf32>
    %mul3A_620 = arith.constant 8.750000e-01 : f32
    %mul3A_621 = vector.broadcast %mul3A_620 : f32 to vector<128x128xf32>
    %mul3A_622 = arith.mulf %mul3A_621, %get3A_574 : vector<128x128xf32>
    %mul3A_623 = arith.constant 1.250000e-01 : f32
    %mul3A_624 = vector.broadcast %mul3A_623 : f32 to vector<128x128xf32>
    %mul3A_625 = arith.mulf %mul3A_624, %concatenate3A_605 : vector<128x128xf32>
    %add3A_626 = arith.addf %mul3A_622, %mul3A_625 : vector<128x128xf32>
    %mul3A_627 = arith.constant 6.250000e-01 : f32
    %mul3A_628 = vector.broadcast %mul3A_627 : f32 to vector<128x128xf32>
    %mul3A_629 = arith.mulf %mul3A_628, %get3A_574 : vector<128x128xf32>
    %mul3A_630 = arith.constant 3.750000e-01 : f32
    %mul3A_631 = vector.broadcast %mul3A_630 : f32 to vector<128x128xf32>
    %mul3A_632 = arith.mulf %mul3A_631, %concatenate3A_605 : vector<128x128xf32>
    %add3A_633 = arith.addf %mul3A_629, %mul3A_632 : vector<128x128xf32>
    %stack3A_634 = vector.shape_cast %add3A_612 : vector<128x128xf32> to vector<128x1x128xf32>
    %stack3A_635 = vector.shape_cast %add3A_619 : vector<128x128xf32> to vector<128x1x128xf32>
    %stack3A_636 = vector.shape_cast %add3A_626 : vector<128x128xf32> to vector<128x1x128xf32>
    %stack3A_637 = vector.shape_cast %add3A_633 : vector<128x128xf32> to vector<128x1x128xf32>
    %stack3A_638 = tpu.concatenate %stack3A_634, %stack3A_635, %stack3A_636, %stack3A_637 in 1 : vector<128x1x128xf32>, vector<128x1x128xf32>, vector<128x1x128xf32>, vector<128x1x128xf32> -> vector<128x4x128xf32>
    %reshape3A_639 = vector.shape_cast %stack3A_638 : vector<128x4x128xf32> to vector<512x128xf32>
    %convert_element_type3A_640 = arith.truncf %reshape3A_639 : vector<512x128xf32> to vector<512x128xbf16>
    %convert_element_type3A_641 = arith.extf %convert_element_type3A_640 : vector<512x128xbf16> to vector<512x128xf32>
    %sub3A_642 = arith.subf %reshape3A_639, %convert_element_type3A_641 : vector<512x128xf32>
    %convert_element_type3A_643 = arith.truncf %sub3A_642 : vector<512x128xf32> to vector<512x128xbf16>
    %dot_general3A_644 = arith.constant dense<0.000000e+00> : vector<512x512xf32>
    %dot_general3A_645 = tpu.matmul %convert_element_type3A_640, %get3A_3, %dot_general3A_644 {dimension_numbers = #tpu.dot_dimension_numbers<[1], [1], [0], [0], [0, 0, 1, 0], [], []>, transpose_lhs_hint = false} : vector<512x128xbf16>, vector<512x128xbf16>, vector<512x512xf32> -> vector<512x512xf32>
    %dot_general3A_646 = arith.constant dense<0.000000e+00> : vector<512x512xf32>
    %dot_general3A_647 = tpu.matmul %convert_element_type3A_643, %get3A_3, %dot_general3A_646 {dimension_numbers = #tpu.dot_dimension_numbers<[1], [1], [0], [0], [0, 0, 1, 0], [], []>, transpose_lhs_hint = false} : vector<512x128xbf16>, vector<512x128xbf16>, vector<512x512xf32> -> vector<512x512xf32>
    %add3A_648 = arith.addf %dot_general3A_645, %dot_general3A_647 : vector<512x512xf32>
    %gt3A_649 = arith.constant 0.000000e+00 : f32
    %gt3A_650 = vector.broadcast %gt3A_649 : f32 to vector<512x512xf32>
    %gt3A_651 = arith.cmpf ogt, %add3A_648, %gt3A_650 : vector<512x512xf32>
    %swap3A_652 = arith.constant 4 : index
    %swap3A_653 = arith.constant 0 : index
    %swap3A_654 = arith.constant 0 : index
    %swap3A_655 = vector.load %arg14[%swap3A_652, %swap3A_653, %swap3A_654] : memref<8x512x512xi32, #tpu.memory_space<vmem>>, vector<1x512x512xi32>
    %swap3A_656 = arith.extui %gt3A_651 : vector<512x512xi1> to vector<512x512xi32>
    %swap3A_657 = vector.shape_cast %swap3A_655 : vector<1x512x512xi32> to vector<512x512xi32>
    %swap3A_658 = vector.shape_cast %swap3A_656 : vector<512x512xi32> to vector<1x512x512xi32>
    %swap3A_659 = arith.constant dense<0> : vector<512x512xi32>
    %swap3A_660 = arith.cmpi ne, %swap3A_657, %swap3A_659 : vector<512x512xi32>
    tpu.vector_store %arg14[%swap3A_652, %swap3A_653, %swap3A_654], %swap3A_658 {strides = array<i32>} : memref<8x512x512xi32, #tpu.memory_space<vmem>>, vector<1x512x512xi32>,
    %convert_element_type3A_661 = arith.extui %gt3A_651 : vector<512x512xi1> to vector<512x512xi32>
    %convert_element_type3A_662 = arith.sitofp %convert_element_type3A_661 : vector<512x512xi32> to vector<512x512xf32>
    %reduce_sum3A_663 = vector.shape_cast %convert_element_type3A_662 : vector<512x512xf32> to vector<1x512x512xf32>
    %reduce_sum3A_664 = arith.constant dense<0.000000e+00> : vector<1xf32>
    %reduce_sum3A_665 = vector.multi_reduction <add>, %reduce_sum3A_663, %reduce_sum3A_664 [1, 2] : vector<1x512x512xf32> to vector<1xf32>
    %reduce_sum3A_666 = vector.shape_cast %reduce_sum3A_665 : vector<1xf32> to vector<1x1x1xf32>
    %reduce_sum3A_667 = vector.extract %reduce_sum3A_666[0, 0, 0] : f32 from vector<1x1x1xf32>
    %mul3A_668 = arith.constant 8 : i32
    %mul3A_669 = arith.muli %arg0, %mul3A_668 : i32
    %add3A_670 = arith.constant 4 : i32
    %add3A_671 = arith.addi %mul3A_669, %add3A_670 : i32
    %get3A_672 = arith.index_cast %add3A_671 : i32 to index
    %get3A_673 = memref.load %arg2[%get3A_672] : memref<400xf32, #tpu.memory_space<smem>>
    %mul3A_674 = arith.mulf %get3A_673, %div3A_599 : f32
    %gt3A_675 = arith.constant 5.000000e+00 : f32
    %gt3A_676 = arith.cmpf ogt, %reduce_sum3A_667, %gt3A_675 : f32
    %mul3A_677 = arith.constant 8 : i32
    %mul3A_678 = arith.muli %arg0, %mul3A_677 : i32
    %add3A_679 = arith.constant 4 : i32
    %add3A_680 = arith.addi %mul3A_678, %add3A_679 : i32
    %get3A_681 = arith.index_cast %add3A_680 : i32 to index
    %get3A_682 = memref.load %arg3[%get3A_681] : memref<400xf32, #tpu.memory_space<smem>>
    %gt3A_683 = arith.constant 1.000000e+01 : f32
    %gt3A_684 = arith.cmpf ogt, %get3A_682, %gt3A_683 : f32
    %and3A_685 = arith.andi %gt3A_676, %gt3A_684 : i1
    %gt3A_686 = arith.constant 5.000000e-02 : f32
    %gt3A_687 = arith.cmpf ogt, %mul3A_674, %gt3A_686 : f32
    %and3A_688 = arith.andi %and3A_685, %gt3A_687 : i1
    %broadcast_in_dim3A_689 = vector.broadcast %mul3A_674 : f32 to vector<128xf32>
    %mul3A_690 = arith.constant 8 : i32
    %mul3A_691 = arith.muli %arg0, %mul3A_690 : i32
    %add3A_692 = arith.constant 4 : i32
    %add3A_693 = arith.addi %mul3A_691, %add3A_692 : i32
    %swap3A_694 = arith.index_cast %add3A_693 : i32 to index
    %swap3A_695 = arith.constant 0 : index
    %swap3A_696 = arith.constant 0 : index
    %swap3A_697 = vector.load %arg15[%swap3A_694, %swap3A_695, %swap3A_696] : memref<400x1x128xf32, #tpu.memory_space<vmem>>, vector<1x1x128xf32>
    %swap3A_698 = vector.shape_cast %swap3A_697 : vector<1x1x128xf32> to vector<128xf32>
    %swap3A_699 = vector.shape_cast %broadcast_in_dim3A_689 : vector<128xf32> to vector<1x1x128xf32>
    tpu.vector_store %arg15[%swap3A_694, %swap3A_695, %swap3A_696], %swap3A_699 {strides = array<i32>} : memref<400x1x128xf32, #tpu.memory_space<vmem>>, vector<1x1x128xf32>,
    %broadcast_in_dim3A_700 = vector.broadcast %and3A_688 : i1 to vector<128xi1>
    %mul3A_701 = arith.constant 8 : i32
    %mul3A_702 = arith.muli %arg0, %mul3A_701 : i32
    %add3A_703 = arith.constant 4 : i32
    %add3A_704 = arith.addi %mul3A_702, %add3A_703 : i32
    %swap3A_705 = arith.index_cast %add3A_704 : i32 to index
    %swap3A_706 = arith.constant 0 : index
    %swap3A_707 = arith.constant 0 : index
    %swap3A_708 = vector.load %arg16[%swap3A_705, %swap3A_706, %swap3A_707] : memref<400x1x128xi32, #tpu.memory_space<vmem>>, vector<1x1x128xi32>
    %swap3A_709 = arith.extui %broadcast_in_dim3A_700 : vector<128xi1> to vector<128xi32>
    %swap3A_710 = vector.shape_cast %swap3A_708 : vector<1x1x128xi32> to vector<128xi32>
    %swap3A_711 = vector.shape_cast %swap3A_709 : vector<128xi32> to vector<1x1x128xi32>
    %swap3A_712 = arith.constant dense<0> : vector<128xi32>
    %swap3A_713 = arith.cmpi ne, %swap3A_710, %swap3A_712 : vector<128xi32>
    tpu.vector_store %arg16[%swap3A_705, %swap3A_706, %swap3A_707], %swap3A_711 {strides = array<i32>} : memref<400x1x128xi32, #tpu.memory_space<vmem>>, vector<1x1x128xi32>,
    %get3A_714 = arith.constant 0 : index
    %get3A_715 = arith.constant 0 : index
    %get3A_716 = arith.constant 0 : index
    %get3A_717 = arith.constant 0 : index
    %get3A_718 = vector.load %arg9[%get3A_714, %get3A_715, %get3A_716, %get3A_717] : memref<1x1x128x128xf32, #tpu.memory_space<vmem>>, vector<1x1x128x128xf32>
    %get3A_719 = vector.shape_cast %get3A_718 : vector<1x1x128x128xf32> to vector<128x128xf32>
    %gt3A_720 = arith.constant 0.000000e+00 : f32
    %gt3A_721 = vector.broadcast %gt3A_720 : f32 to vector<128x128xf32>
    %gt3A_722 = arith.cmpf ogt, %get3A_719, %gt3A_721 : vector<128x128xf32>
    %convert_element_type3A_723 = arith.extui %gt3A_722 : vector<128x128xi1> to vector<128x128xi32>
    %convert_element_type3A_724 = arith.sitofp %convert_element_type3A_723 : vector<128x128xi32> to vector<128x128xf32>
    %logistic3A_725 = arith.negf %get3A_719 : vector<128x128xf32>
    %logistic3A_726 = math.exp %logistic3A_725 : vector<128x128xf32>
    %logistic3A_727 = arith.constant 1.000000e+00 : f32
    %logistic3A_728 = vector.broadcast %logistic3A_727 : f32 to vector<128x128xf32>
    %logistic3A_729 = arith.addf %logistic3A_728, %logistic3A_726 : vector<128x128xf32>
    %logistic3A_730 = arith.divf %logistic3A_728, %logistic3A_729 : vector<128x128xf32>
    %mul3A_731 = arith.mulf %logistic3A_730, %convert_element_type3A_724 : vector<128x128xf32>
    %reduce_sum3A_732 = vector.shape_cast %mul3A_731 : vector<128x128xf32> to vector<1x128x128xf32>
    %reduce_sum3A_733 = arith.constant dense<0.000000e+00> : vector<1xf32>
    %reduce_sum3A_734 = vector.multi_reduction <add>, %reduce_sum3A_732, %reduce_sum3A_733 [1, 2] : vector<1x128x128xf32> to vector<1xf32>
    %reduce_sum3A_735 = vector.shape_cast %reduce_sum3A_734 : vector<1xf32> to vector<1x1x1xf32>
    %reduce_sum3A_736 = vector.extract %reduce_sum3A_735[0, 0, 0] : f32 from vector<1x1x1xf32>
    %reduce_sum3A_737 = vector.shape_cast %convert_element_type3A_724 : vector<128x128xf32> to vector<1x128x128xf32>
    %reduce_sum3A_738 = arith.constant dense<0.000000e+00> : vector<1xf32>
    %reduce_sum3A_739 = vector.multi_reduction <add>, %reduce_sum3A_737, %reduce_sum3A_738 [1, 2] : vector<1x128x128xf32> to vector<1xf32>
    %reduce_sum3A_740 = vector.shape_cast %reduce_sum3A_739 : vector<1xf32> to vector<1x1x1xf32>
    %reduce_sum3A_741 = vector.extract %reduce_sum3A_740[0, 0, 0] : f32 from vector<1x1x1xf32>
    %add3A_742 = arith.constant 9.99999997E-7 : f32
    %add3A_743 = arith.addf %reduce_sum3A_741, %add3A_742 : f32
    %div3A_744 = arith.divf %reduce_sum3A_736, %add3A_743 : f32
    %slice3A_745 = vector.extract_strided_slice %get3A_719 {offsets = [0, 0], sizes = [1, 128], strides = [1, 1]} : vector<128x128xf32> to vector<1x128xf32>
    %slice3A_746 = vector.extract_strided_slice %get3A_719 {offsets = [0, 0], sizes = [127, 128], strides = [1, 1]} : vector<128x128xf32> to vector<127x128xf32>
    %concatenate3A_747 = tpu.concatenate %slice3A_745, %slice3A_746 in 0 : vector<1x128xf32>, vector<127x128xf32> -> vector<128x128xf32>
    %slice3A_748 = vector.extract_strided_slice %get3A_719 {offsets = [1, 0], sizes = [127, 128], strides = [1, 1]} : vector<128x128xf32> to vector<127x128xf32>
    %slice3A_749 = vector.extract_strided_slice %get3A_719 {offsets = [127, 0], sizes = [1, 128], strides = [1, 1]} : vector<128x128xf32> to vector<1x128xf32>
    %concatenate3A_750 = tpu.concatenate %slice3A_748, %slice3A_749 in 0 : vector<127x128xf32>, vector<1x128xf32> -> vector<128x128xf32>
    %mul3A_751 = arith.constant 3.750000e-01 : f32
    %mul3A_752 = vector.broadcast %mul3A_751 : f32 to vector<128x128xf32>
    %mul3A_753 = arith.mulf %mul3A_752, %concatenate3A_747 : vector<128x128xf32>
    %mul3A_754 = arith.constant 6.250000e-01 : f32
    %mul3A_755 = vector.broadcast %mul3A_754 : f32 to vector<128x128xf32>
    %mul3A_756 = arith.mulf %mul3A_755, %get3A_719 : vector<128x128xf32>
    %add3A_757 = arith.addf %mul3A_753, %mul3A_756 : vector<128x128xf32>
    %mul3A_758 = arith.constant 1.250000e-01 : f32
    %mul3A_759 = vector.broadcast %mul3A_758 : f32 to vector<128x128xf32>
    %mul3A_760 = arith.mulf %mul3A_759, %concatenate3A_747 : vector<128x128xf32>
    %mul3A_761 = arith.constant 8.750000e-01 : f32
    %mul3A_762 = vector.broadcast %mul3A_761 : f32 to vector<128x128xf32>
    %mul3A_763 = arith.mulf %mul3A_762, %get3A_719 : vector<128x128xf32>
    %add3A_764 = arith.addf %mul3A_760, %mul3A_763 : vector<128x128xf32>
    %mul3A_765 = arith.constant 8.750000e-01 : f32
    %mul3A_766 = vector.broadcast %mul3A_765 : f32 to vector<128x128xf32>
    %mul3A_767 = arith.mulf %mul3A_766, %get3A_719 : vector<128x128xf32>
    %mul3A_768 = arith.constant 1.250000e-01 : f32
    %mul3A_769 = vector.broadcast %mul3A_768 : f32 to vector<128x128xf32>
    %mul3A_770 = arith.mulf %mul3A_769, %concatenate3A_750 : vector<128x128xf32>
    %add3A_771 = arith.addf %mul3A_767, %mul3A_770 : vector<128x128xf32>
    %mul3A_772 = arith.constant 6.250000e-01 : f32
    %mul3A_773 = vector.broadcast %mul3A_772 : f32 to vector<128x128xf32>
    %mul3A_774 = arith.mulf %mul3A_773, %get3A_719 : vector<128x128xf32>
    %mul3A_775 = arith.constant 3.750000e-01 : f32
    %mul3A_776 = vector.broadcast %mul3A_775 : f32 to vector<128x128xf32>
    %mul3A_777 = arith.mulf %mul3A_776, %concatenate3A_750 : vector<128x128xf32>
    %add3A_778 = arith.addf %mul3A_774, %mul3A_777 : vector<128x128xf32>
    %stack3A_779 = vector.shape_cast %add3A_757 : vector<128x128xf32> to vector<128x1x128xf32>
    %stack3A_780 = vector.shape_cast %add3A_764 : vector<128x128xf32> to vector<128x1x128xf32>
    %stack3A_781 = vector.shape_cast %add3A_771 : vector<128x128xf32> to vector<128x1x128xf32>
    %stack3A_782 = vector.shape_cast %add3A_778 : vector<128x128xf32> to vector<128x1x128xf32>
    %stack3A_783 = tpu.concatenate %stack3A_779, %stack3A_780, %stack3A_781, %stack3A_782 in 1 : vector<128x1x128xf32>, vector<128x1x128xf32>, vector<128x1x128xf32>, vector<128x1x128xf32> -> vector<128x4x128xf32>
    %reshape3A_784 = vector.shape_cast %stack3A_783 : vector<128x4x128xf32> to vector<512x128xf32>
    %convert_element_type3A_785 = arith.truncf %reshape3A_784 : vector<512x128xf32> to vector<512x128xbf16>
    %convert_element_type3A_786 = arith.extf %convert_element_type3A_785 : vector<512x128xbf16> to vector<512x128xf32>
    %sub3A_787 = arith.subf %reshape3A_784, %convert_element_type3A_786 : vector<512x128xf32>
    %convert_element_type3A_788 = arith.truncf %sub3A_787 : vector<512x128xf32> to vector<512x128xbf16>
    %dot_general3A_789 = arith.constant dense<0.000000e+00> : vector<512x512xf32>
    %dot_general3A_790 = tpu.matmul %convert_element_type3A_785, %get3A_3, %dot_general3A_789 {dimension_numbers = #tpu.dot_dimension_numbers<[1], [1], [0], [0], [0, 0, 1, 0], [], []>, transpose_lhs_hint = false} : vector<512x128xbf16>, vector<512x128xbf16>, vector<512x512xf32> -> vector<512x512xf32>
    %dot_general3A_791 = arith.constant dense<0.000000e+00> : vector<512x512xf32>
    %dot_general3A_792 = tpu.matmul %convert_element_type3A_788, %get3A_3, %dot_general3A_791 {dimension_numbers = #tpu.dot_dimension_numbers<[1], [1], [0], [0], [0, 0, 1, 0], [], []>, transpose_lhs_hint = false} : vector<512x128xbf16>, vector<512x128xbf16>, vector<512x512xf32> -> vector<512x512xf32>
    %add3A_793 = arith.addf %dot_general3A_790, %dot_general3A_792 : vector<512x512xf32>
    %gt3A_794 = arith.constant 0.000000e+00 : f32
    %gt3A_795 = vector.broadcast %gt3A_794 : f32 to vector<512x512xf32>
    %gt3A_796 = arith.cmpf ogt, %add3A_793, %gt3A_795 : vector<512x512xf32>
    %swap3A_797 = arith.constant 5 : index
    %swap3A_798 = arith.constant 0 : index
    %swap3A_799 = arith.constant 0 : index
    %swap3A_800 = vector.load %arg14[%swap3A_797, %swap3A_798, %swap3A_799] : memref<8x512x512xi32, #tpu.memory_space<vmem>>, vector<1x512x512xi32>
    %swap3A_801 = arith.extui %gt3A_796 : vector<512x512xi1> to vector<512x512xi32>
    %swap3A_802 = vector.shape_cast %swap3A_800 : vector<1x512x512xi32> to vector<512x512xi32>
    %swap3A_803 = vector.shape_cast %swap3A_801 : vector<512x512xi32> to vector<1x512x512xi32>
    %swap3A_804 = arith.constant dense<0> : vector<512x512xi32>
    %swap3A_805 = arith.cmpi ne, %swap3A_802, %swap3A_804 : vector<512x512xi32>
    tpu.vector_store %arg14[%swap3A_797, %swap3A_798, %swap3A_799], %swap3A_803 {strides = array<i32>} : memref<8x512x512xi32, #tpu.memory_space<vmem>>, vector<1x512x512xi32>,
    %convert_element_type3A_806 = arith.extui %gt3A_796 : vector<512x512xi1> to vector<512x512xi32>
    %convert_element_type3A_807 = arith.sitofp %convert_element_type3A_806 : vector<512x512xi32> to vector<512x512xf32>
    %reduce_sum3A_808 = vector.shape_cast %convert_element_type3A_807 : vector<512x512xf32> to vector<1x512x512xf32>
    %reduce_sum3A_809 = arith.constant dense<0.000000e+00> : vector<1xf32>
    %reduce_sum3A_810 = vector.multi_reduction <add>, %reduce_sum3A_808, %reduce_sum3A_809 [1, 2] : vector<1x512x512xf32> to vector<1xf32>
    %reduce_sum3A_811 = vector.shape_cast %reduce_sum3A_810 : vector<1xf32> to vector<1x1x1xf32>
    %reduce_sum3A_812 = vector.extract %reduce_sum3A_811[0, 0, 0] : f32 from vector<1x1x1xf32>
    %mul3A_813 = arith.constant 8 : i32
    %mul3A_814 = arith.muli %arg0, %mul3A_813 : i32
    %add3A_815 = arith.constant 5 : i32
    %add3A_816 = arith.addi %mul3A_814, %add3A_815 : i32
    %get3A_817 = arith.index_cast %add3A_816 : i32 to index
    %get3A_818 = memref.load %arg2[%get3A_817] : memref<400xf32, #tpu.memory_space<smem>>
    %mul3A_819 = arith.mulf %get3A_818, %div3A_744 : f32
    %gt3A_820 = arith.constant 5.000000e+00 : f32
    %gt3A_821 = arith.cmpf ogt, %reduce_sum3A_812, %gt3A_820 : f32
    %mul3A_822 = arith.constant 8 : i32
    %mul3A_823 = arith.muli %arg0, %mul3A_822 : i32
    %add3A_824 = arith.constant 5 : i32
    %add3A_825 = arith.addi %mul3A_823, %add3A_824 : i32
    %get3A_826 = arith.index_cast %add3A_825 : i32 to index
    %get3A_827 = memref.load %arg3[%get3A_826] : memref<400xf32, #tpu.memory_space<smem>>
    %gt3A_828 = arith.constant 1.000000e+01 : f32
    %gt3A_829 = arith.cmpf ogt, %get3A_827, %gt3A_828 : f32
    %and3A_830 = arith.andi %gt3A_821, %gt3A_829 : i1
    %gt3A_831 = arith.constant 5.000000e-02 : f32
    %gt3A_832 = arith.cmpf ogt, %mul3A_819, %gt3A_831 : f32
    %and3A_833 = arith.andi %and3A_830, %gt3A_832 : i1
    %broadcast_in_dim3A_834 = vector.broadcast %mul3A_819 : f32 to vector<128xf32>
    %mul3A_835 = arith.constant 8 : i32
    %mul3A_836 = arith.muli %arg0, %mul3A_835 : i32
    %add3A_837 = arith.constant 5 : i32
    %add3A_838 = arith.addi %mul3A_836, %add3A_837 : i32
    %swap3A_839 = arith.index_cast %add3A_838 : i32 to index
    %swap3A_840 = arith.constant 0 : index
    %swap3A_841 = arith.constant 0 : index
    %swap3A_842 = vector.load %arg15[%swap3A_839, %swap3A_840, %swap3A_841] : memref<400x1x128xf32, #tpu.memory_space<vmem>>, vector<1x1x128xf32>
    %swap3A_843 = vector.shape_cast %swap3A_842 : vector<1x1x128xf32> to vector<128xf32>
    %swap3A_844 = vector.shape_cast %broadcast_in_dim3A_834 : vector<128xf32> to vector<1x1x128xf32>
    tpu.vector_store %arg15[%swap3A_839, %swap3A_840, %swap3A_841], %swap3A_844 {strides = array<i32>} : memref<400x1x128xf32, #tpu.memory_space<vmem>>, vector<1x1x128xf32>,
    %broadcast_in_dim3A_845 = vector.broadcast %and3A_833 : i1 to vector<128xi1>
    %mul3A_846 = arith.constant 8 : i32
    %mul3A_847 = arith.muli %arg0, %mul3A_846 : i32
    %add3A_848 = arith.constant 5 : i32
    %add3A_849 = arith.addi %mul3A_847, %add3A_848 : i32
    %swap3A_850 = arith.index_cast %add3A_849 : i32 to index
    %swap3A_851 = arith.constant 0 : index
    %swap3A_852 = arith.constant 0 : index
    %swap3A_853 = vector.load %arg16[%swap3A_850, %swap3A_851, %swap3A_852] : memref<400x1x128xi32, #tpu.memory_space<vmem>>, vector<1x1x128xi32>
    %swap3A_854 = arith.extui %broadcast_in_dim3A_845 : vector<128xi1> to vector<128xi32>
    %swap3A_855 = vector.shape_cast %swap3A_853 : vector<1x1x128xi32> to vector<128xi32>
    %swap3A_856 = vector.shape_cast %swap3A_854 : vector<128xi32> to vector<1x1x128xi32>
    %swap3A_857 = arith.constant dense<0> : vector<128xi32>
    %swap3A_858 = arith.cmpi ne, %swap3A_855, %swap3A_857 : vector<128xi32>
    tpu.vector_store %arg16[%swap3A_850, %swap3A_851, %swap3A_852], %swap3A_856 {strides = array<i32>} : memref<400x1x128xi32, #tpu.memory_space<vmem>>, vector<1x1x128xi32>,
    %get3A_859 = arith.constant 0 : index
    %get3A_860 = arith.constant 0 : index
    %get3A_861 = arith.constant 0 : index
    %get3A_862 = arith.constant 0 : index
    %get3A_863 = vector.load %arg10[%get3A_859, %get3A_860, %get3A_861, %get3A_862] : memref<1x1x128x128xf32, #tpu.memory_space<vmem>>, vector<1x1x128x128xf32>
    %get3A_864 = vector.shape_cast %get3A_863 : vector<1x1x128x128xf32> to vector<128x128xf32>
    %gt3A_865 = arith.constant 0.000000e+00 : f32
    %gt3A_866 = vector.broadcast %gt3A_865 : f32 to vector<128x128xf32>
    %gt3A_867 = arith.cmpf ogt, %get3A_864, %gt3A_866 : vector<128x128xf32>
    %convert_element_type3A_868 = arith.extui %gt3A_867 : vector<128x128xi1> to vector<128x128xi32>
    %convert_element_type3A_869 = arith.sitofp %convert_element_type3A_868 : vector<128x128xi32> to vector<128x128xf32>
    %logistic3A_870 = arith.negf %get3A_864 : vector<128x128xf32>
    %logistic3A_871 = math.exp %logistic3A_870 : vector<128x128xf32>
    %logistic3A_872 = arith.constant 1.000000e+00 : f32
    %logistic3A_873 = vector.broadcast %logistic3A_872 : f32 to vector<128x128xf32>
    %logistic3A_874 = arith.addf %logistic3A_873, %logistic3A_871 : vector<128x128xf32>
    %logistic3A_875 = arith.divf %logistic3A_873, %logistic3A_874 : vector<128x128xf32>
    %mul3A_876 = arith.mulf %logistic3A_875, %convert_element_type3A_869 : vector<128x128xf32>
    %reduce_sum3A_877 = vector.shape_cast %mul3A_876 : vector<128x128xf32> to vector<1x128x128xf32>
    %reduce_sum3A_878 = arith.constant dense<0.000000e+00> : vector<1xf32>
    %reduce_sum3A_879 = vector.multi_reduction <add>, %reduce_sum3A_877, %reduce_sum3A_878 [1, 2] : vector<1x128x128xf32> to vector<1xf32>
    %reduce_sum3A_880 = vector.shape_cast %reduce_sum3A_879 : vector<1xf32> to vector<1x1x1xf32>
    %reduce_sum3A_881 = vector.extract %reduce_sum3A_880[0, 0, 0] : f32 from vector<1x1x1xf32>
    %reduce_sum3A_882 = vector.shape_cast %convert_element_type3A_869 : vector<128x128xf32> to vector<1x128x128xf32>
    %reduce_sum3A_883 = arith.constant dense<0.000000e+00> : vector<1xf32>
    %reduce_sum3A_884 = vector.multi_reduction <add>, %reduce_sum3A_882, %reduce_sum3A_883 [1, 2] : vector<1x128x128xf32> to vector<1xf32>
    %reduce_sum3A_885 = vector.shape_cast %reduce_sum3A_884 : vector<1xf32> to vector<1x1x1xf32>
    %reduce_sum3A_886 = vector.extract %reduce_sum3A_885[0, 0, 0] : f32 from vector<1x1x1xf32>
    %add3A_887 = arith.constant 9.99999997E-7 : f32
    %add3A_888 = arith.addf %reduce_sum3A_886, %add3A_887 : f32
    %div3A_889 = arith.divf %reduce_sum3A_881, %add3A_888 : f32
    %slice3A_890 = vector.extract_strided_slice %get3A_864 {offsets = [0, 0], sizes = [1, 128], strides = [1, 1]} : vector<128x128xf32> to vector<1x128xf32>
    %slice3A_891 = vector.extract_strided_slice %get3A_864 {offsets = [0, 0], sizes = [127, 128], strides = [1, 1]} : vector<128x128xf32> to vector<127x128xf32>
    %concatenate3A_892 = tpu.concatenate %slice3A_890, %slice3A_891 in 0 : vector<1x128xf32>, vector<127x128xf32> -> vector<128x128xf32>
    %slice3A_893 = vector.extract_strided_slice %get3A_864 {offsets = [1, 0], sizes = [127, 128], strides = [1, 1]} : vector<128x128xf32> to vector<127x128xf32>
    %slice3A_894 = vector.extract_strided_slice %get3A_864 {offsets = [127, 0], sizes = [1, 128], strides = [1, 1]} : vector<128x128xf32> to vector<1x128xf32>
    %concatenate3A_895 = tpu.concatenate %slice3A_893, %slice3A_894 in 0 : vector<127x128xf32>, vector<1x128xf32> -> vector<128x128xf32>
    %mul3A_896 = arith.constant 3.750000e-01 : f32
    %mul3A_897 = vector.broadcast %mul3A_896 : f32 to vector<128x128xf32>
    %mul3A_898 = arith.mulf %mul3A_897, %concatenate3A_892 : vector<128x128xf32>
    %mul3A_899 = arith.constant 6.250000e-01 : f32
    %mul3A_900 = vector.broadcast %mul3A_899 : f32 to vector<128x128xf32>
    %mul3A_901 = arith.mulf %mul3A_900, %get3A_864 : vector<128x128xf32>
    %add3A_902 = arith.addf %mul3A_898, %mul3A_901 : vector<128x128xf32>
    %mul3A_903 = arith.constant 1.250000e-01 : f32
    %mul3A_904 = vector.broadcast %mul3A_903 : f32 to vector<128x128xf32>
    %mul3A_905 = arith.mulf %mul3A_904, %concatenate3A_892 : vector<128x128xf32>
    %mul3A_906 = arith.constant 8.750000e-01 : f32
    %mul3A_907 = vector.broadcast %mul3A_906 : f32 to vector<128x128xf32>
    %mul3A_908 = arith.mulf %mul3A_907, %get3A_864 : vector<128x128xf32>
    %add3A_909 = arith.addf %mul3A_905, %mul3A_908 : vector<128x128xf32>
    %mul3A_910 = arith.constant 8.750000e-01 : f32
    %mul3A_911 = vector.broadcast %mul3A_910 : f32 to vector<128x128xf32>
    %mul3A_912 = arith.mulf %mul3A_911, %get3A_864 : vector<128x128xf32>
    %mul3A_913 = arith.constant 1.250000e-01 : f32
    %mul3A_914 = vector.broadcast %mul3A_913 : f32 to vector<128x128xf32>
    %mul3A_915 = arith.mulf %mul3A_914, %concatenate3A_895 : vector<128x128xf32>
    %add3A_916 = arith.addf %mul3A_912, %mul3A_915 : vector<128x128xf32>
    %mul3A_917 = arith.constant 6.250000e-01 : f32
    %mul3A_918 = vector.broadcast %mul3A_917 : f32 to vector<128x128xf32>
    %mul3A_919 = arith.mulf %mul3A_918, %get3A_864 : vector<128x128xf32>
    %mul3A_920 = arith.constant 3.750000e-01 : f32
    %mul3A_921 = vector.broadcast %mul3A_920 : f32 to vector<128x128xf32>
    %mul3A_922 = arith.mulf %mul3A_921, %concatenate3A_895 : vector<128x128xf32>
    %add3A_923 = arith.addf %mul3A_919, %mul3A_922 : vector<128x128xf32>
    %stack3A_924 = vector.shape_cast %add3A_902 : vector<128x128xf32> to vector<128x1x128xf32>
    %stack3A_925 = vector.shape_cast %add3A_909 : vector<128x128xf32> to vector<128x1x128xf32>
    %stack3A_926 = vector.shape_cast %add3A_916 : vector<128x128xf32> to vector<128x1x128xf32>
    %stack3A_927 = vector.shape_cast %add3A_923 : vector<128x128xf32> to vector<128x1x128xf32>
    %stack3A_928 = tpu.concatenate %stack3A_924, %stack3A_925, %stack3A_926, %stack3A_927 in 1 : vector<128x1x128xf32>, vector<128x1x128xf32>, vector<128x1x128xf32>, vector<128x1x128xf32> -> vector<128x4x128xf32>
    %reshape3A_929 = vector.shape_cast %stack3A_928 : vector<128x4x128xf32> to vector<512x128xf32>
    %convert_element_type3A_930 = arith.truncf %reshape3A_929 : vector<512x128xf32> to vector<512x128xbf16>
    %convert_element_type3A_931 = arith.extf %convert_element_type3A_930 : vector<512x128xbf16> to vector<512x128xf32>
    %sub3A_932 = arith.subf %reshape3A_929, %convert_element_type3A_931 : vector<512x128xf32>
    %convert_element_type3A_933 = arith.truncf %sub3A_932 : vector<512x128xf32> to vector<512x128xbf16>
    %dot_general3A_934 = arith.constant dense<0.000000e+00> : vector<512x512xf32>
    %dot_general3A_935 = tpu.matmul %convert_element_type3A_930, %get3A_3, %dot_general3A_934 {dimension_numbers = #tpu.dot_dimension_numbers<[1], [1], [0], [0], [0, 0, 1, 0], [], []>, transpose_lhs_hint = false} : vector<512x128xbf16>, vector<512x128xbf16>, vector<512x512xf32> -> vector<512x512xf32>
    %dot_general3A_936 = arith.constant dense<0.000000e+00> : vector<512x512xf32>
    %dot_general3A_937 = tpu.matmul %convert_element_type3A_933, %get3A_3, %dot_general3A_936 {dimension_numbers = #tpu.dot_dimension_numbers<[1], [1], [0], [0], [0, 0, 1, 0], [], []>, transpose_lhs_hint = false} : vector<512x128xbf16>, vector<512x128xbf16>, vector<512x512xf32> -> vector<512x512xf32>
    %add3A_938 = arith.addf %dot_general3A_935, %dot_general3A_937 : vector<512x512xf32>
    %gt3A_939 = arith.constant 0.000000e+00 : f32
    %gt3A_940 = vector.broadcast %gt3A_939 : f32 to vector<512x512xf32>
    %gt3A_941 = arith.cmpf ogt, %add3A_938, %gt3A_940 : vector<512x512xf32>
    %swap3A_942 = arith.constant 6 : index
    %swap3A_943 = arith.constant 0 : index
    %swap3A_944 = arith.constant 0 : index
    %swap3A_945 = vector.load %arg14[%swap3A_942, %swap3A_943, %swap3A_944] : memref<8x512x512xi32, #tpu.memory_space<vmem>>, vector<1x512x512xi32>
    %swap3A_946 = arith.extui %gt3A_941 : vector<512x512xi1> to vector<512x512xi32>
    %swap3A_947 = vector.shape_cast %swap3A_945 : vector<1x512x512xi32> to vector<512x512xi32>
    %swap3A_948 = vector.shape_cast %swap3A_946 : vector<512x512xi32> to vector<1x512x512xi32>
    %swap3A_949 = arith.constant dense<0> : vector<512x512xi32>
    %swap3A_950 = arith.cmpi ne, %swap3A_947, %swap3A_949 : vector<512x512xi32>
    tpu.vector_store %arg14[%swap3A_942, %swap3A_943, %swap3A_944], %swap3A_948 {strides = array<i32>} : memref<8x512x512xi32, #tpu.memory_space<vmem>>, vector<1x512x512xi32>,
    %convert_element_type3A_951 = arith.extui %gt3A_941 : vector<512x512xi1> to vector<512x512xi32>
    %convert_element_type3A_952 = arith.sitofp %convert_element_type3A_951 : vector<512x512xi32> to vector<512x512xf32>
    %reduce_sum3A_953 = vector.shape_cast %convert_element_type3A_952 : vector<512x512xf32> to vector<1x512x512xf32>
    %reduce_sum3A_954 = arith.constant dense<0.000000e+00> : vector<1xf32>
    %reduce_sum3A_955 = vector.multi_reduction <add>, %reduce_sum3A_953, %reduce_sum3A_954 [1, 2] : vector<1x512x512xf32> to vector<1xf32>
    %reduce_sum3A_956 = vector.shape_cast %reduce_sum3A_955 : vector<1xf32> to vector<1x1x1xf32>
    %reduce_sum3A_957 = vector.extract %reduce_sum3A_956[0, 0, 0] : f32 from vector<1x1x1xf32>
    %mul3A_958 = arith.constant 8 : i32
    %mul3A_959 = arith.muli %arg0, %mul3A_958 : i32
    %add3A_960 = arith.constant 6 : i32
    %add3A_961 = arith.addi %mul3A_959, %add3A_960 : i32
    %get3A_962 = arith.index_cast %add3A_961 : i32 to index
    %get3A_963 = memref.load %arg2[%get3A_962] : memref<400xf32, #tpu.memory_space<smem>>
    %mul3A_964 = arith.mulf %get3A_963, %div3A_889 : f32
    %gt3A_965 = arith.constant 5.000000e+00 : f32
    %gt3A_966 = arith.cmpf ogt, %reduce_sum3A_957, %gt3A_965 : f32
    %mul3A_967 = arith.constant 8 : i32
    %mul3A_968 = arith.muli %arg0, %mul3A_967 : i32
    %add3A_969 = arith.constant 6 : i32
    %add3A_970 = arith.addi %mul3A_968, %add3A_969 : i32
    %get3A_971 = arith.index_cast %add3A_970 : i32 to index
    %get3A_972 = memref.load %arg3[%get3A_971] : memref<400xf32, #tpu.memory_space<smem>>
    %gt3A_973 = arith.constant 1.000000e+01 : f32
    %gt3A_974 = arith.cmpf ogt, %get3A_972, %gt3A_973 : f32
    %and3A_975 = arith.andi %gt3A_966, %gt3A_974 : i1
    %gt3A_976 = arith.constant 5.000000e-02 : f32
    %gt3A_977 = arith.cmpf ogt, %mul3A_964, %gt3A_976 : f32
    %and3A_978 = arith.andi %and3A_975, %gt3A_977 : i1
    %broadcast_in_dim3A_979 = vector.broadcast %mul3A_964 : f32 to vector<128xf32>
    %mul3A_980 = arith.constant 8 : i32
    %mul3A_981 = arith.muli %arg0, %mul3A_980 : i32
    %add3A_982 = arith.constant 6 : i32
    %add3A_983 = arith.addi %mul3A_981, %add3A_982 : i32
    %swap3A_984 = arith.index_cast %add3A_983 : i32 to index
    %swap3A_985 = arith.constant 0 : index
    %swap3A_986 = arith.constant 0 : index
    %swap3A_987 = vector.load %arg15[%swap3A_984, %swap3A_985, %swap3A_986] : memref<400x1x128xf32, #tpu.memory_space<vmem>>, vector<1x1x128xf32>
    %swap3A_988 = vector.shape_cast %swap3A_987 : vector<1x1x128xf32> to vector<128xf32>
    %swap3A_989 = vector.shape_cast %broadcast_in_dim3A_979 : vector<128xf32> to vector<1x1x128xf32>
    tpu.vector_store %arg15[%swap3A_984, %swap3A_985, %swap3A_986], %swap3A_989 {strides = array<i32>} : memref<400x1x128xf32, #tpu.memory_space<vmem>>, vector<1x1x128xf32>,
    %broadcast_in_dim3A_990 = vector.broadcast %and3A_978 : i1 to vector<128xi1>
    %mul3A_991 = arith.constant 8 : i32
    %mul3A_992 = arith.muli %arg0, %mul3A_991 : i32
    %add3A_993 = arith.constant 6 : i32
    %add3A_994 = arith.addi %mul3A_992, %add3A_993 : i32
    %swap3A_995 = arith.index_cast %add3A_994 : i32 to index
    %swap3A_996 = arith.constant 0 : index
    %swap3A_997 = arith.constant 0 : index
    %swap3A_998 = vector.load %arg16[%swap3A_995, %swap3A_996, %swap3A_997] : memref<400x1x128xi32, #tpu.memory_space<vmem>>, vector<1x1x128xi32>
    %swap3A_999 = arith.extui %broadcast_in_dim3A_990 : vector<128xi1> to vector<128xi32>
    %swap3A_1000 = vector.shape_cast %swap3A_998 : vector<1x1x128xi32> to vector<128xi32>
    %swap3A_1001 = vector.shape_cast %swap3A_999 : vector<128xi32> to vector<1x1x128xi32>
    %swap3A_1002 = arith.constant dense<0> : vector<128xi32>
    %swap3A_1003 = arith.cmpi ne, %swap3A_1000, %swap3A_1002 : vector<128xi32>
    tpu.vector_store %arg16[%swap3A_995, %swap3A_996, %swap3A_997], %swap3A_1001 {strides = array<i32>} : memref<400x1x128xi32, #tpu.memory_space<vmem>>, vector<1x1x128xi32>,
    %get3A_1004 = arith.constant 0 : index
    %get3A_1005 = arith.constant 0 : index
    %get3A_1006 = arith.constant 0 : index
    %get3A_1007 = arith.constant 0 : index
    %get3A_1008 = vector.load %arg11[%get3A_1004, %get3A_1005, %get3A_1006, %get3A_1007] : memref<1x1x128x128xf32, #tpu.memory_space<vmem>>, vector<1x1x128x128xf32>
    %get3A_1009 = vector.shape_cast %get3A_1008 : vector<1x1x128x128xf32> to vector<128x128xf32>
    %gt3A_1010 = arith.constant 0.000000e+00 : f32
    %gt3A_1011 = vector.broadcast %gt3A_1010 : f32 to vector<128x128xf32>
    %gt3A_1012 = arith.cmpf ogt, %get3A_1009, %gt3A_1011 : vector<128x128xf32>
    %convert_element_type3A_1013 = arith.extui %gt3A_1012 : vector<128x128xi1> to vector<128x128xi32>
    %convert_element_type3A_1014 = arith.sitofp %convert_element_type3A_1013 : vector<128x128xi32> to vector<128x128xf32>
    %logistic3A_1015 = arith.negf %get3A_1009 : vector<128x128xf32>
    %logistic3A_1016 = math.exp %logistic3A_1015 : vector<128x128xf32>
    %logistic3A_1017 = arith.constant 1.000000e+00 : f32
    %logistic3A_1018 = vector.broadcast %logistic3A_1017 : f32 to vector<128x128xf32>
    %logistic3A_1019 = arith.addf %logistic3A_1018, %logistic3A_1016 : vector<128x128xf32>
    %logistic3A_1020 = arith.divf %logistic3A_1018, %logistic3A_1019 : vector<128x128xf32>
    %mul3A_1021 = arith.mulf %logistic3A_1020, %convert_element_type3A_1014 : vector<128x128xf32>
    %reduce_sum3A_1022 = vector.shape_cast %mul3A_1021 : vector<128x128xf32> to vector<1x128x128xf32>
    %reduce_sum3A_1023 = arith.constant dense<0.000000e+00> : vector<1xf32>
    %reduce_sum3A_1024 = vector.multi_reduction <add>, %reduce_sum3A_1022, %reduce_sum3A_1023 [1, 2] : vector<1x128x128xf32> to vector<1xf32>
    %reduce_sum3A_1025 = vector.shape_cast %reduce_sum3A_1024 : vector<1xf32> to vector<1x1x1xf32>
    %reduce_sum3A_1026 = vector.extract %reduce_sum3A_1025[0, 0, 0] : f32 from vector<1x1x1xf32>
    %reduce_sum3A_1027 = vector.shape_cast %convert_element_type3A_1014 : vector<128x128xf32> to vector<1x128x128xf32>
    %reduce_sum3A_1028 = arith.constant dense<0.000000e+00> : vector<1xf32>
    %reduce_sum3A_1029 = vector.multi_reduction <add>, %reduce_sum3A_1027, %reduce_sum3A_1028 [1, 2] : vector<1x128x128xf32> to vector<1xf32>
    %reduce_sum3A_1030 = vector.shape_cast %reduce_sum3A_1029 : vector<1xf32> to vector<1x1x1xf32>
    %reduce_sum3A_1031 = vector.extract %reduce_sum3A_1030[0, 0, 0] : f32 from vector<1x1x1xf32>
    %add3A_1032 = arith.constant 9.99999997E-7 : f32
    %add3A_1033 = arith.addf %reduce_sum3A_1031, %add3A_1032 : f32
    %div3A_1034 = arith.divf %reduce_sum3A_1026, %add3A_1033 : f32
    %slice3A_1035 = vector.extract_strided_slice %get3A_1009 {offsets = [0, 0], sizes = [1, 128], strides = [1, 1]} : vector<128x128xf32> to vector<1x128xf32>
    %slice3A_1036 = vector.extract_strided_slice %get3A_1009 {offsets = [0, 0], sizes = [127, 128], strides = [1, 1]} : vector<128x128xf32> to vector<127x128xf32>
    %concatenate3A_1037 = tpu.concatenate %slice3A_1035, %slice3A_1036 in 0 : vector<1x128xf32>, vector<127x128xf32> -> vector<128x128xf32>
    %slice3A_1038 = vector.extract_strided_slice %get3A_1009 {offsets = [1, 0], sizes = [127, 128], strides = [1, 1]} : vector<128x128xf32> to vector<127x128xf32>
    %slice3A_1039 = vector.extract_strided_slice %get3A_1009 {offsets = [127, 0], sizes = [1, 128], strides = [1, 1]} : vector<128x128xf32> to vector<1x128xf32>
    %concatenate3A_1040 = tpu.concatenate %slice3A_1038, %slice3A_1039 in 0 : vector<127x128xf32>, vector<1x128xf32> -> vector<128x128xf32>
    %mul3A_1041 = arith.constant 3.750000e-01 : f32
    %mul3A_1042 = vector.broadcast %mul3A_1041 : f32 to vector<128x128xf32>
    %mul3A_1043 = arith.mulf %mul3A_1042, %concatenate3A_1037 : vector<128x128xf32>
    %mul3A_1044 = arith.constant 6.250000e-01 : f32
    %mul3A_1045 = vector.broadcast %mul3A_1044 : f32 to vector<128x128xf32>
    %mul3A_1046 = arith.mulf %mul3A_1045, %get3A_1009 : vector<128x128xf32>
    %add3A_1047 = arith.addf %mul3A_1043, %mul3A_1046 : vector<128x128xf32>
    %mul3A_1048 = arith.constant 1.250000e-01 : f32
    %mul3A_1049 = vector.broadcast %mul3A_1048 : f32 to vector<128x128xf32>
    %mul3A_1050 = arith.mulf %mul3A_1049, %concatenate3A_1037 : vector<128x128xf32>
    %mul3A_1051 = arith.constant 8.750000e-01 : f32
    %mul3A_1052 = vector.broadcast %mul3A_1051 : f32 to vector<128x128xf32>
    %mul3A_1053 = arith.mulf %mul3A_1052, %get3A_1009 : vector<128x128xf32>
    %add3A_1054 = arith.addf %mul3A_1050, %mul3A_1053 : vector<128x128xf32>
    %mul3A_1055 = arith.constant 8.750000e-01 : f32
    %mul3A_1056 = vector.broadcast %mul3A_1055 : f32 to vector<128x128xf32>
    %mul3A_1057 = arith.mulf %mul3A_1056, %get3A_1009 : vector<128x128xf32>
    %mul3A_1058 = arith.constant 1.250000e-01 : f32
    %mul3A_1059 = vector.broadcast %mul3A_1058 : f32 to vector<128x128xf32>
    %mul3A_1060 = arith.mulf %mul3A_1059, %concatenate3A_1040 : vector<128x128xf32>
    %add3A_1061 = arith.addf %mul3A_1057, %mul3A_1060 : vector<128x128xf32>
    %mul3A_1062 = arith.constant 6.250000e-01 : f32
    %mul3A_1063 = vector.broadcast %mul3A_1062 : f32 to vector<128x128xf32>
    %mul3A_1064 = arith.mulf %mul3A_1063, %get3A_1009 : vector<128x128xf32>
    %mul3A_1065 = arith.constant 3.750000e-01 : f32
    %mul3A_1066 = vector.broadcast %mul3A_1065 : f32 to vector<128x128xf32>
    %mul3A_1067 = arith.mulf %mul3A_1066, %concatenate3A_1040 : vector<128x128xf32>
    %add3A_1068 = arith.addf %mul3A_1064, %mul3A_1067 : vector<128x128xf32>
    %stack3A_1069 = vector.shape_cast %add3A_1047 : vector<128x128xf32> to vector<128x1x128xf32>
    %stack3A_1070 = vector.shape_cast %add3A_1054 : vector<128x128xf32> to vector<128x1x128xf32>
    %stack3A_1071 = vector.shape_cast %add3A_1061 : vector<128x128xf32> to vector<128x1x128xf32>
    %stack3A_1072 = vector.shape_cast %add3A_1068 : vector<128x128xf32> to vector<128x1x128xf32>
    %stack3A_1073 = tpu.concatenate %stack3A_1069, %stack3A_1070, %stack3A_1071, %stack3A_1072 in 1 : vector<128x1x128xf32>, vector<128x1x128xf32>, vector<128x1x128xf32>, vector<128x1x128xf32> -> vector<128x4x128xf32>
    %reshape3A_1074 = vector.shape_cast %stack3A_1073 : vector<128x4x128xf32> to vector<512x128xf32>
    %convert_element_type3A_1075 = arith.truncf %reshape3A_1074 : vector<512x128xf32> to vector<512x128xbf16>
    %convert_element_type3A_1076 = arith.extf %convert_element_type3A_1075 : vector<512x128xbf16> to vector<512x128xf32>
    %sub3A_1077 = arith.subf %reshape3A_1074, %convert_element_type3A_1076 : vector<512x128xf32>
    %convert_element_type3A_1078 = arith.truncf %sub3A_1077 : vector<512x128xf32> to vector<512x128xbf16>
    %dot_general3A_1079 = arith.constant dense<0.000000e+00> : vector<512x512xf32>
    %dot_general3A_1080 = tpu.matmul %convert_element_type3A_1075, %get3A_3, %dot_general3A_1079 {dimension_numbers = #tpu.dot_dimension_numbers<[1], [1], [0], [0], [0, 0, 1, 0], [], []>, transpose_lhs_hint = false} : vector<512x128xbf16>, vector<512x128xbf16>, vector<512x512xf32> -> vector<512x512xf32>
    %dot_general3A_1081 = arith.constant dense<0.000000e+00> : vector<512x512xf32>
    %dot_general3A_1082 = tpu.matmul %convert_element_type3A_1078, %get3A_3, %dot_general3A_1081 {dimension_numbers = #tpu.dot_dimension_numbers<[1], [1], [0], [0], [0, 0, 1, 0], [], []>, transpose_lhs_hint = false} : vector<512x128xbf16>, vector<512x128xbf16>, vector<512x512xf32> -> vector<512x512xf32>
    %add3A_1083 = arith.addf %dot_general3A_1080, %dot_general3A_1082 : vector<512x512xf32>
    %gt3A_1084 = arith.constant 0.000000e+00 : f32
    %gt3A_1085 = vector.broadcast %gt3A_1084 : f32 to vector<512x512xf32>
    %gt3A_1086 = arith.cmpf ogt, %add3A_1083, %gt3A_1085 : vector<512x512xf32>
    %swap3A_1087 = arith.constant 7 : index
    %swap3A_1088 = arith.constant 0 : index
    %swap3A_1089 = arith.constant 0 : index
    %swap3A_1090 = vector.load %arg14[%swap3A_1087, %swap3A_1088, %swap3A_1089] : memref<8x512x512xi32, #tpu.memory_space<vmem>>, vector<1x512x512xi32>
    %swap3A_1091 = arith.extui %gt3A_1086 : vector<512x512xi1> to vector<512x512xi32>
    %swap3A_1092 = vector.shape_cast %swap3A_1090 : vector<1x512x512xi32> to vector<512x512xi32>
    %swap3A_1093 = vector.shape_cast %swap3A_1091 : vector<512x512xi32> to vector<1x512x512xi32>
    %swap3A_1094 = arith.constant dense<0> : vector<512x512xi32>
    %swap3A_1095 = arith.cmpi ne, %swap3A_1092, %swap3A_1094 : vector<512x512xi32>
    tpu.vector_store %arg14[%swap3A_1087, %swap3A_1088, %swap3A_1089], %swap3A_1093 {strides = array<i32>} : memref<8x512x512xi32, #tpu.memory_space<vmem>>, vector<1x512x512xi32>,
    %convert_element_type3A_1096 = arith.extui %gt3A_1086 : vector<512x512xi1> to vector<512x512xi32>
    %convert_element_type3A_1097 = arith.sitofp %convert_element_type3A_1096 : vector<512x512xi32> to vector<512x512xf32>
    %reduce_sum3A_1098 = vector.shape_cast %convert_element_type3A_1097 : vector<512x512xf32> to vector<1x512x512xf32>
    %reduce_sum3A_1099 = arith.constant dense<0.000000e+00> : vector<1xf32>
    %reduce_sum3A_1100 = vector.multi_reduction <add>, %reduce_sum3A_1098, %reduce_sum3A_1099 [1, 2] : vector<1x512x512xf32> to vector<1xf32>
    %reduce_sum3A_1101 = vector.shape_cast %reduce_sum3A_1100 : vector<1xf32> to vector<1x1x1xf32>
    %reduce_sum3A_1102 = vector.extract %reduce_sum3A_1101[0, 0, 0] : f32 from vector<1x1x1xf32>
    %mul3A_1103 = arith.constant 8 : i32
    %mul3A_1104 = arith.muli %arg0, %mul3A_1103 : i32
    %add3A_1105 = arith.constant 7 : i32
    %add3A_1106 = arith.addi %mul3A_1104, %add3A_1105 : i32
    %get3A_1107 = arith.index_cast %add3A_1106 : i32 to index
    %get3A_1108 = memref.load %arg2[%get3A_1107] : memref<400xf32, #tpu.memory_space<smem>>
    %mul3A_1109 = arith.mulf %get3A_1108, %div3A_1034 : f32
    %gt3A_1110 = arith.constant 5.000000e+00 : f32
    %gt3A_1111 = arith.cmpf ogt, %reduce_sum3A_1102, %gt3A_1110 : f32
    %mul3A_1112 = arith.constant 8 : i32
    %mul3A_1113 = arith.muli %arg0, %mul3A_1112 : i32
    %add3A_1114 = arith.constant 7 : i32
    %add3A_1115 = arith.addi %mul3A_1113, %add3A_1114 : i32
    %get3A_1116 = arith.index_cast %add3A_1115 : i32 to index
    %get3A_1117 = memref.load %arg3[%get3A_1116] : memref<400xf32, #tpu.memory_space<smem>>
    %gt3A_1118 = arith.constant 1.000000e+01 : f32
    %gt3A_1119 = arith.cmpf ogt, %get3A_1117, %gt3A_1118 : f32
    %and3A_1120 = arith.andi %gt3A_1111, %gt3A_1119 : i1
    %gt3A_1121 = arith.constant 5.000000e-02 : f32
    %gt3A_1122 = arith.cmpf ogt, %mul3A_1109, %gt3A_1121 : f32
    %and3A_1123 = arith.andi %and3A_1120, %gt3A_1122 : i1
    %broadcast_in_dim3A_1124 = vector.broadcast %mul3A_1109 : f32 to vector<128xf32>
    %mul3A_1125 = arith.constant 8 : i32
    %mul3A_1126 = arith.muli %arg0, %mul3A_1125 : i32
    %add3A_1127 = arith.constant 7 : i32
    %add3A_1128 = arith.addi %mul3A_1126, %add3A_1127 : i32
    %swap3A_1129 = arith.index_cast %add3A_1128 : i32 to index
    %swap3A_1130 = arith.constant 0 : index
    %swap3A_1131 = arith.constant 0 : index
    %swap3A_1132 = vector.load %arg15[%swap3A_1129, %swap3A_1130, %swap3A_1131] : memref<400x1x128xf32, #tpu.memory_space<vmem>>, vector<1x1x128xf32>
    %swap3A_1133 = vector.shape_cast %swap3A_1132 : vector<1x1x128xf32> to vector<128xf32>
    %swap3A_1134 = vector.shape_cast %broadcast_in_dim3A_1124 : vector<128xf32> to vector<1x1x128xf32>
    tpu.vector_store %arg15[%swap3A_1129, %swap3A_1130, %swap3A_1131], %swap3A_1134 {strides = array<i32>} : memref<400x1x128xf32, #tpu.memory_space<vmem>>, vector<1x1x128xf32>,
    %broadcast_in_dim3A_1135 = vector.broadcast %and3A_1123 : i1 to vector<128xi1>
    %mul3A_1136 = arith.constant 8 : i32
    %mul3A_1137 = arith.muli %arg0, %mul3A_1136 : i32
    %add3A_1138 = arith.constant 7 : i32
    %add3A_1139 = arith.addi %mul3A_1137, %add3A_1138 : i32
    %swap3A_1140 = arith.index_cast %add3A_1139 : i32 to index
    %swap3A_1141 = arith.constant 0 : index
    %swap3A_1142 = arith.constant 0 : index
    %swap3A_1143 = vector.load %arg16[%swap3A_1140, %swap3A_1141, %swap3A_1142] : memref<400x1x128xi32, #tpu.memory_space<vmem>>, vector<1x1x128xi32>
    %swap3A_1144 = arith.extui %broadcast_in_dim3A_1135 : vector<128xi1> to vector<128xi32>
    %swap3A_1145 = vector.shape_cast %swap3A_1143 : vector<1x1x128xi32> to vector<128xi32>
    %swap3A_1146 = vector.shape_cast %swap3A_1144 : vector<128xi32> to vector<1x1x128xi32>
    %swap3A_1147 = arith.constant dense<0> : vector<128xi32>
    %swap3A_1148 = arith.cmpi ne, %swap3A_1145, %swap3A_1147 : vector<128xi32>
    tpu.vector_store %arg16[%swap3A_1140, %swap3A_1141, %swap3A_1142], %swap3A_1146 {strides = array<i32>} : memref<400x1x128xi32, #tpu.memory_space<vmem>>, vector<1x1x128xi32>,
    return
  }
  func.func @transform_0(%arg0: i32, %arg1: memref<400xi32, #tpu.memory_space<smem>>, %arg2: memref<400xf32, #tpu.memory_space<smem>>, %arg3: memref<400xf32, #tpu.memory_space<smem>>) -> (i32, i32, i32, i32) {
    %mul3A = arith.constant 8 : i32
    %mul3A_0 = arith.muli %arg0, %mul3A : i32
    %add3A = arith.constant 0 : i32
    %add3A_1 = arith.addi %mul3A_0, %add3A : i32
    %jit3A = arith.constant 100 : i32
    %div3A = arith.divsi %add3A_1, %jit3A : i32
    %sign3A = arith.constant 0 : i32
    %sign3A_2 = arith.cmpi sgt, %add3A_1, %sign3A : i32
    %sign3A_3 = arith.extui %sign3A_2 : i1 to i32
    %sign3A_4 = arith.constant 0 : i32
    %sign3A_5 = arith.cmpi slt, %add3A_1, %sign3A_4 : i32
    %sign3A_6 = arith.extui %sign3A_5 : i1 to i32
    %sign3A_7 = arith.subi %sign3A_3, %sign3A_6 : i32
    %sign3A_8 = arith.constant 0 : i32
    %sign3A_9 = arith.cmpi sgt, %jit3A, %sign3A_8 : i32
    %sign3A_10 = arith.extui %sign3A_9 : i1 to i32
    %sign3A_11 = arith.constant 0 : i32
    %sign3A_12 = arith.cmpi slt, %jit3A, %sign3A_11 : i32
    %sign3A_13 = arith.extui %sign3A_12 : i1 to i32
    %sign3A_14 = arith.subi %sign3A_10, %sign3A_13 : i32
    %ne3A = arith.cmpi ne, %sign3A_7, %sign3A_14 : i32
    %rem3A = arith.remsi %add3A_1, %jit3A : i32
    %ne3A_15 = arith.constant 0 : i32
    %ne3A_16 = arith.cmpi ne, %rem3A, %ne3A_15 : i32
    %and3A = arith.andi %ne3A, %ne3A_16 : i1
    %sub3A = arith.constant 1 : i32
    %sub3A_17 = arith.subi %div3A, %sub3A : i32
    %select_n3A = arith.select %and3A, %sub3A_17, %div3A : i32
    %mul3A_18 = arith.constant 8 : i32
    %mul3A_19 = arith.muli %arg0, %mul3A_18 : i32
    %add3A_20 = arith.constant 0 : i32
    %add3A_21 = arith.addi %mul3A_19, %add3A_20 : i32
    %get3A = arith.index_cast %add3A_21 : i32 to index
    %get3A_22 = memref.load %arg1[%get3A] : memref<400xi32, #tpu.memory_space<smem>>
    %c0_i32 = arith.constant 0 : i32
    %c0_i32_23 = arith.constant 0 : i32
    %c0_i32_24 = arith.constant 0 : i32
    return %select_n3A, %get3A_22, %c0_i32, %c0_i32_23 : i32, i32, i32, i32
  }
  func.func @transform_1(%arg0: i32, %arg1: memref<400xi32, #tpu.memory_space<smem>>, %arg2: memref<400xf32, #tpu.memory_space<smem>>, %arg3: memref<400xf32, #tpu.memory_space<smem>>) -> (i32, i32, i32, i32) {
    %mul3A = arith.constant 8 : i32
    %mul3A_0 = arith.muli %arg0, %mul3A : i32
    %add3A = arith.constant 1 : i32
    %add3A_1 = arith.addi %mul3A_0, %add3A : i32
    %jit3A = arith.constant 100 : i32
    %div3A = arith.divsi %add3A_1, %jit3A : i32
    %sign3A = arith.constant 0 : i32
    %sign3A_2 = arith.cmpi sgt, %add3A_1, %sign3A : i32
    %sign3A_3 = arith.extui %sign3A_2 : i1 to i32
    %sign3A_4 = arith.constant 0 : i32
    %sign3A_5 = arith.cmpi slt, %add3A_1, %sign3A_4 : i32
    %sign3A_6 = arith.extui %sign3A_5 : i1 to i32
    %sign3A_7 = arith.subi %sign3A_3, %sign3A_6 : i32
    %sign3A_8 = arith.constant 0 : i32
    %sign3A_9 = arith.cmpi sgt, %jit3A, %sign3A_8 : i32
    %sign3A_10 = arith.extui %sign3A_9 : i1 to i32
    %sign3A_11 = arith.constant 0 : i32
    %sign3A_12 = arith.cmpi slt, %jit3A, %sign3A_11 : i32
    %sign3A_13 = arith.extui %sign3A_12 : i1 to i32
    %sign3A_14 = arith.subi %sign3A_10, %sign3A_13 : i32
    %ne3A = arith.cmpi ne, %sign3A_7, %sign3A_14 : i32
    %rem3A = arith.remsi %add3A_1, %jit3A : i32
    %ne3A_15 = arith.constant 0 : i32
    %ne3A_16 = arith.cmpi ne, %rem3A, %ne3A_15 : i32
    %and3A = arith.andi %ne3A, %ne3A_16 : i1
    %sub3A = arith.constant 1 : i32
    %sub3A_17 = arith.subi %div3A, %sub3A : i32
    %select_n3A = arith.select %and3A, %sub3A_17, %div3A : i32
    %mul3A_18 = arith.constant 8 : i32
    %mul3A_19 = arith.muli %arg0, %mul3A_18 : i32
    %add3A_20 = arith.constant 1 : i32
    %add3A_21 = arith.addi %mul3A_19, %add3A_20 : i32
    %get3A = arith.index_cast %add3A_21 : i32 to index
    %get3A_22 = memref.load %arg1[%get3A] : memref<400xi32, #tpu.memory_space<smem>>
    %c0_i32 = arith.constant 0 : i32
    %c0_i32_23 = arith.constant 0 : i32
    %c0_i32_24 = arith.constant 0 : i32
    return %select_n3A, %get3A_22, %c0_i32, %c0_i32_23 : i32, i32, i32, i32
  }
  func.func @transform_2(%arg0: i32, %arg1: memref<400xi32, #tpu.memory_space<smem>>, %arg2: memref<400xf32, #tpu.memory_space<smem>>, %arg3: memref<400xf32, #tpu.memory_space<smem>>) -> (i32, i32, i32, i32) {
    %mul3A = arith.constant 8 : i32
    %mul3A_0 = arith.muli %arg0, %mul3A : i32
    %add3A = arith.constant 2 : i32
    %add3A_1 = arith.addi %mul3A_0, %add3A : i32
    %jit3A = arith.constant 100 : i32
    %div3A = arith.divsi %add3A_1, %jit3A : i32
    %sign3A = arith.constant 0 : i32
    %sign3A_2 = arith.cmpi sgt, %add3A_1, %sign3A : i32
    %sign3A_3 = arith.extui %sign3A_2 : i1 to i32
    %sign3A_4 = arith.constant 0 : i32
    %sign3A_5 = arith.cmpi slt, %add3A_1, %sign3A_4 : i32
    %sign3A_6 = arith.extui %sign3A_5 : i1 to i32
    %sign3A_7 = arith.subi %sign3A_3, %sign3A_6 : i32
    %sign3A_8 = arith.constant 0 : i32
    %sign3A_9 = arith.cmpi sgt, %jit3A, %sign3A_8 : i32
    %sign3A_10 = arith.extui %sign3A_9 : i1 to i32
    %sign3A_11 = arith.constant 0 : i32
    %sign3A_12 = arith.cmpi slt, %jit3A, %sign3A_11 : i32
    %sign3A_13 = arith.extui %sign3A_12 : i1 to i32
    %sign3A_14 = arith.subi %sign3A_10, %sign3A_13 : i32
    %ne3A = arith.cmpi ne, %sign3A_7, %sign3A_14 : i32
    %rem3A = arith.remsi %add3A_1, %jit3A : i32
    %ne3A_15 = arith.constant 0 : i32
    %ne3A_16 = arith.cmpi ne, %rem3A, %ne3A_15 : i32
    %and3A = arith.andi %ne3A, %ne3A_16 : i1
    %sub3A = arith.constant 1 : i32
    %sub3A_17 = arith.subi %div3A, %sub3A : i32
    %select_n3A = arith.select %and3A, %sub3A_17, %div3A : i32
    %mul3A_18 = arith.constant 8 : i32
    %mul3A_19 = arith.muli %arg0, %mul3A_18 : i32
    %add3A_20 = arith.constant 2 : i32
    %add3A_21 = arith.addi %mul3A_19, %add3A_20 : i32
    %get3A = arith.index_cast %add3A_21 : i32 to index
    %get3A_22 = memref.load %arg1[%get3A] : memref<400xi32, #tpu.memory_space<smem>>
    %c0_i32 = arith.constant 0 : i32
    %c0_i32_23 = arith.constant 0 : i32
    %c0_i32_24 = arith.constant 0 : i32
    return %select_n3A, %get3A_22, %c0_i32, %c0_i32_23 : i32, i32, i32, i32
  }
  func.func @transform_3(%arg0: i32, %arg1: memref<400xi32, #tpu.memory_space<smem>>, %arg2: memref<400xf32, #tpu.memory_space<smem>>, %arg3: memref<400xf32, #tpu.memory_space<smem>>) -> (i32, i32, i32, i32) {
    %mul3A = arith.constant 8 : i32
    %mul3A_0 = arith.muli %arg0, %mul3A : i32
    %add3A = arith.constant 3 : i32
    %add3A_1 = arith.addi %mul3A_0, %add3A : i32
    %jit3A = arith.constant 100 : i32
    %div3A = arith.divsi %add3A_1, %jit3A : i32
    %sign3A = arith.constant 0 : i32
    %sign3A_2 = arith.cmpi sgt, %add3A_1, %sign3A : i32
    %sign3A_3 = arith.extui %sign3A_2 : i1 to i32
    %sign3A_4 = arith.constant 0 : i32
    %sign3A_5 = arith.cmpi slt, %add3A_1, %sign3A_4 : i32
    %sign3A_6 = arith.extui %sign3A_5 : i1 to i32
    %sign3A_7 = arith.subi %sign3A_3, %sign3A_6 : i32
    %sign3A_8 = arith.constant 0 : i32
    %sign3A_9 = arith.cmpi sgt, %jit3A, %sign3A_8 : i32
    %sign3A_10 = arith.extui %sign3A_9 : i1 to i32
    %sign3A_11 = arith.constant 0 : i32
    %sign3A_12 = arith.cmpi slt, %jit3A, %sign3A_11 : i32
    %sign3A_13 = arith.extui %sign3A_12 : i1 to i32
    %sign3A_14 = arith.subi %sign3A_10, %sign3A_13 : i32
    %ne3A = arith.cmpi ne, %sign3A_7, %sign3A_14 : i32
    %rem3A = arith.remsi %add3A_1, %jit3A : i32
    %ne3A_15 = arith.constant 0 : i32
    %ne3A_16 = arith.cmpi ne, %rem3A, %ne3A_15 : i32
    %and3A = arith.andi %ne3A, %ne3A_16 : i1
    %sub3A = arith.constant 1 : i32
    %sub3A_17 = arith.subi %div3A, %sub3A : i32
    %select_n3A = arith.select %and3A, %sub3A_17, %div3A : i32
    %mul3A_18 = arith.constant 8 : i32
    %mul3A_19 = arith.muli %arg0, %mul3A_18 : i32
    %add3A_20 = arith.constant 3 : i32
    %add3A_21 = arith.addi %mul3A_19, %add3A_20 : i32
    %get3A = arith.index_cast %add3A_21 : i32 to index
    %get3A_22 = memref.load %arg1[%get3A] : memref<400xi32, #tpu.memory_space<smem>>
    %c0_i32 = arith.constant 0 : i32
    %c0_i32_23 = arith.constant 0 : i32
    %c0_i32_24 = arith.constant 0 : i32
    return %select_n3A, %get3A_22, %c0_i32, %c0_i32_23 : i32, i32, i32, i32
  }
  func.func @transform_4(%arg0: i32, %arg1: memref<400xi32, #tpu.memory_space<smem>>, %arg2: memref<400xf32, #tpu.memory_space<smem>>, %arg3: memref<400xf32, #tpu.memory_space<smem>>) -> (i32, i32, i32, i32) {
    %mul3A = arith.constant 8 : i32
    %mul3A_0 = arith.muli %arg0, %mul3A : i32
    %add3A = arith.constant 4 : i32
    %add3A_1 = arith.addi %mul3A_0, %add3A : i32
    %jit3A = arith.constant 100 : i32
    %div3A = arith.divsi %add3A_1, %jit3A : i32
    %sign3A = arith.constant 0 : i32
    %sign3A_2 = arith.cmpi sgt, %add3A_1, %sign3A : i32
    %sign3A_3 = arith.extui %sign3A_2 : i1 to i32
    %sign3A_4 = arith.constant 0 : i32
    %sign3A_5 = arith.cmpi slt, %add3A_1, %sign3A_4 : i32
    %sign3A_6 = arith.extui %sign3A_5 : i1 to i32
    %sign3A_7 = arith.subi %sign3A_3, %sign3A_6 : i32
    %sign3A_8 = arith.constant 0 : i32
    %sign3A_9 = arith.cmpi sgt, %jit3A, %sign3A_8 : i32
    %sign3A_10 = arith.extui %sign3A_9 : i1 to i32
    %sign3A_11 = arith.constant 0 : i32
    %sign3A_12 = arith.cmpi slt, %jit3A, %sign3A_11 : i32
    %sign3A_13 = arith.extui %sign3A_12 : i1 to i32
    %sign3A_14 = arith.subi %sign3A_10, %sign3A_13 : i32
    %ne3A = arith.cmpi ne, %sign3A_7, %sign3A_14 : i32
    %rem3A = arith.remsi %add3A_1, %jit3A : i32
    %ne3A_15 = arith.constant 0 : i32
    %ne3A_16 = arith.cmpi ne, %rem3A, %ne3A_15 : i32
    %and3A = arith.andi %ne3A, %ne3A_16 : i1
    %sub3A = arith.constant 1 : i32
    %sub3A_17 = arith.subi %div3A, %sub3A : i32
    %select_n3A = arith.select %and3A, %sub3A_17, %div3A : i32
    %mul3A_18 = arith.constant 8 : i32
    %mul3A_19 = arith.muli %arg0, %mul3A_18 : i32
    %add3A_20 = arith.constant 4 : i32
    %add3A_21 = arith.addi %mul3A_19, %add3A_20 : i32
    %get3A = arith.index_cast %add3A_21 : i32 to index
    %get3A_22 = memref.load %arg1[%get3A] : memref<400xi32, #tpu.memory_space<smem>>
    %c0_i32 = arith.constant 0 : i32
    %c0_i32_23 = arith.constant 0 : i32
    %c0_i32_24 = arith.constant 0 : i32
    return %select_n3A, %get3A_22, %c0_i32, %c0_i32_23 : i32, i32, i32, i32
  }
  func.func @transform_5(%arg0: i32, %arg1: memref<400xi32, #tpu.memory_space<smem>>, %arg2: memref<400xf32, #tpu.memory_space<smem>>, %arg3: memref<400xf32, #tpu.memory_space<smem>>) -> (i32, i32, i32, i32) {
    %mul3A = arith.constant 8 : i32
    %mul3A_0 = arith.muli %arg0, %mul3A : i32
    %add3A = arith.constant 5 : i32
    %add3A_1 = arith.addi %mul3A_0, %add3A : i32
    %jit3A = arith.constant 100 : i32
    %div3A = arith.divsi %add3A_1, %jit3A : i32
    %sign3A = arith.constant 0 : i32
    %sign3A_2 = arith.cmpi sgt, %add3A_1, %sign3A : i32
    %sign3A_3 = arith.extui %sign3A_2 : i1 to i32
    %sign3A_4 = arith.constant 0 : i32
    %sign3A_5 = arith.cmpi slt, %add3A_1, %sign3A_4 : i32
    %sign3A_6 = arith.extui %sign3A_5 : i1 to i32
    %sign3A_7 = arith.subi %sign3A_3, %sign3A_6 : i32
    %sign3A_8 = arith.constant 0 : i32
    %sign3A_9 = arith.cmpi sgt, %jit3A, %sign3A_8 : i32
    %sign3A_10 = arith.extui %sign3A_9 : i1 to i32
    %sign3A_11 = arith.constant 0 : i32
    %sign3A_12 = arith.cmpi slt, %jit3A, %sign3A_11 : i32
    %sign3A_13 = arith.extui %sign3A_12 : i1 to i32
    %sign3A_14 = arith.subi %sign3A_10, %sign3A_13 : i32
    %ne3A = arith.cmpi ne, %sign3A_7, %sign3A_14 : i32
    %rem3A = arith.remsi %add3A_1, %jit3A : i32
    %ne3A_15 = arith.constant 0 : i32
    %ne3A_16 = arith.cmpi ne, %rem3A, %ne3A_15 : i32
    %and3A = arith.andi %ne3A, %ne3A_16 : i1
    %sub3A = arith.constant 1 : i32
    %sub3A_17 = arith.subi %div3A, %sub3A : i32
    %select_n3A = arith.select %and3A, %sub3A_17, %div3A : i32
    %mul3A_18 = arith.constant 8 : i32
    %mul3A_19 = arith.muli %arg0, %mul3A_18 : i32
    %add3A_20 = arith.constant 5 : i32
    %add3A_21 = arith.addi %mul3A_19, %add3A_20 : i32
    %get3A = arith.index_cast %add3A_21 : i32 to index
    %get3A_22 = memref.load %arg1[%get3A] : memref<400xi32, #tpu.memory_space<smem>>
    %c0_i32 = arith.constant 0 : i32
    %c0_i32_23 = arith.constant 0 : i32
    %c0_i32_24 = arith.constant 0 : i32
    return %select_n3A, %get3A_22, %c0_i32, %c0_i32_23 : i32, i32, i32, i32
  }
  func.func @transform_6(%arg0: i32, %arg1: memref<400xi32, #tpu.memory_space<smem>>, %arg2: memref<400xf32, #tpu.memory_space<smem>>, %arg3: memref<400xf32, #tpu.memory_space<smem>>) -> (i32, i32, i32, i32) {
    %mul3A = arith.constant 8 : i32
    %mul3A_0 = arith.muli %arg0, %mul3A : i32
    %add3A = arith.constant 6 : i32
    %add3A_1 = arith.addi %mul3A_0, %add3A : i32
    %jit3A = arith.constant 100 : i32
    %div3A = arith.divsi %add3A_1, %jit3A : i32
    %sign3A = arith.constant 0 : i32
    %sign3A_2 = arith.cmpi sgt, %add3A_1, %sign3A : i32
    %sign3A_3 = arith.extui %sign3A_2 : i1 to i32
    %sign3A_4 = arith.constant 0 : i32
    %sign3A_5 = arith.cmpi slt, %add3A_1, %sign3A_4 : i32
    %sign3A_6 = arith.extui %sign3A_5 : i1 to i32
    %sign3A_7 = arith.subi %sign3A_3, %sign3A_6 : i32
    %sign3A_8 = arith.constant 0 : i32
    %sign3A_9 = arith.cmpi sgt, %jit3A, %sign3A_8 : i32
    %sign3A_10 = arith.extui %sign3A_9 : i1 to i32
    %sign3A_11 = arith.constant 0 : i32
    %sign3A_12 = arith.cmpi slt, %jit3A, %sign3A_11 : i32
    %sign3A_13 = arith.extui %sign3A_12 : i1 to i32
    %sign3A_14 = arith.subi %sign3A_10, %sign3A_13 : i32
    %ne3A = arith.cmpi ne, %sign3A_7, %sign3A_14 : i32
    %rem3A = arith.remsi %add3A_1, %jit3A : i32
    %ne3A_15 = arith.constant 0 : i32
    %ne3A_16 = arith.cmpi ne, %rem3A, %ne3A_15 : i32
    %and3A = arith.andi %ne3A, %ne3A_16 : i1
    %sub3A = arith.constant 1 : i32
    %sub3A_17 = arith.subi %div3A, %sub3A : i32
    %select_n3A = arith.select %and3A, %sub3A_17, %div3A : i32
    %mul3A_18 = arith.constant 8 : i32
    %mul3A_19 = arith.muli %arg0, %mul3A_18 : i32
    %add3A_20 = arith.constant 6 : i32
    %add3A_21 = arith.addi %mul3A_19, %add3A_20 : i32
    %get3A = arith.index_cast %add3A_21 : i32 to index
    %get3A_22 = memref.load %arg1[%get3A] : memref<400xi32, #tpu.memory_space<smem>>
    %c0_i32 = arith.constant 0 : i32
    %c0_i32_23 = arith.constant 0 : i32
    %c0_i32_24 = arith.constant 0 : i32
    return %select_n3A, %get3A_22, %c0_i32, %c0_i32_23 : i32, i32, i32, i32
  }
  func.func @transform_7(%arg0: i32, %arg1: memref<400xi32, #tpu.memory_space<smem>>, %arg2: memref<400xf32, #tpu.memory_space<smem>>, %arg3: memref<400xf32, #tpu.memory_space<smem>>) -> (i32, i32, i32, i32) {
    %mul3A = arith.constant 8 : i32
    %mul3A_0 = arith.muli %arg0, %mul3A : i32
    %add3A = arith.constant 7 : i32
    %add3A_1 = arith.addi %mul3A_0, %add3A : i32
    %jit3A = arith.constant 100 : i32
    %div3A = arith.divsi %add3A_1, %jit3A : i32
    %sign3A = arith.constant 0 : i32
    %sign3A_2 = arith.cmpi sgt, %add3A_1, %sign3A : i32
    %sign3A_3 = arith.extui %sign3A_2 : i1 to i32
    %sign3A_4 = arith.constant 0 : i32
    %sign3A_5 = arith.cmpi slt, %add3A_1, %sign3A_4 : i32
    %sign3A_6 = arith.extui %sign3A_5 : i1 to i32
    %sign3A_7 = arith.subi %sign3A_3, %sign3A_6 : i32
    %sign3A_8 = arith.constant 0 : i32
    %sign3A_9 = arith.cmpi sgt, %jit3A, %sign3A_8 : i32
    %sign3A_10 = arith.extui %sign3A_9 : i1 to i32
    %sign3A_11 = arith.constant 0 : i32
    %sign3A_12 = arith.cmpi slt, %jit3A, %sign3A_11 : i32
    %sign3A_13 = arith.extui %sign3A_12 : i1 to i32
    %sign3A_14 = arith.subi %sign3A_10, %sign3A_13 : i32
    %ne3A = arith.cmpi ne, %sign3A_7, %sign3A_14 : i32
    %rem3A = arith.remsi %add3A_1, %jit3A : i32
    %ne3A_15 = arith.constant 0 : i32
    %ne3A_16 = arith.cmpi ne, %rem3A, %ne3A_15 : i32
    %and3A = arith.andi %ne3A, %ne3A_16 : i1
    %sub3A = arith.constant 1 : i32
    %sub3A_17 = arith.subi %div3A, %sub3A : i32
    %select_n3A = arith.select %and3A, %sub3A_17, %div3A : i32
    %mul3A_18 = arith.constant 8 : i32
    %mul3A_19 = arith.muli %arg0, %mul3A_18 : i32
    %add3A_20 = arith.constant 7 : i32
    %add3A_21 = arith.addi %mul3A_19, %add3A_20 : i32
    %get3A = arith.index_cast %add3A_21 : i32 to index
    %get3A_22 = memref.load %arg1[%get3A] : memref<400xi32, #tpu.memory_space<smem>>
    %c0_i32 = arith.constant 0 : i32
    %c0_i32_23 = arith.constant 0 : i32
    %c0_i32_24 = arith.constant 0 : i32
    return %select_n3A, %get3A_22, %c0_i32, %c0_i32_23 : i32, i32, i32, i32
  }
  func.func @transform_8(%arg0: i32, %arg1: memref<400xi32, #tpu.memory_space<smem>>, %arg2: memref<400xf32, #tpu.memory_space<smem>>, %arg3: memref<400xf32, #tpu.memory_space<smem>>) -> (i32, i32) {
    %c0_i32 = arith.constant 0 : i32
    %c0_i32_0 = arith.constant 0 : i32
    %c0_i32_1 = arith.constant 0 : i32
    return %c0_i32, %c0_i32_0 : i32, i32
  }
  func.func @transform_9(%arg0: i32, %arg1: memref<400xi32, #tpu.memory_space<smem>>, %arg2: memref<400xf32, #tpu.memory_space<smem>>, %arg3: memref<400xf32, #tpu.memory_space<smem>>) -> (i32, i32) {
    %c0_i32 = arith.constant 0 : i32
    %c0_i32_0 = arith.constant 0 : i32
    %c0_i32_1 = arith.constant 0 : i32
    return %c0_i32, %c0_i32_0 : i32, i32
  }
  func.func @transform_10(%arg0: i32, %arg1: memref<400xi32, #tpu.memory_space<smem>>, %arg2: memref<400xf32, #tpu.memory_space<smem>>, %arg3: memref<400xf32, #tpu.memory_space<smem>>) -> (i32, i32, i32) {
    %c0_i32 = arith.constant 0 : i32
    %c0_i32_0 = arith.constant 0 : i32
    %c0_i32_1 = arith.constant 0 : i32
    return %arg0, %c0_i32, %c0_i32_0 : i32, i32, i32
  }
  func.func @transform_11(%arg0: i32, %arg1: memref<400xi32, #tpu.memory_space<smem>>, %arg2: memref<400xf32, #tpu.memory_space<smem>>, %arg3: memref<400xf32, #tpu.memory_space<smem>>) -> (i32, i32, i32) {
    %c0_i32 = arith.constant 0 : i32
    %c0_i32_0 = arith.constant 0 : i32
    %c0_i32_1 = arith.constant 0 : i32
    %c0_i32_2 = arith.constant 0 : i32
    return %c0_i32, %c0_i32_0, %c0_i32_1 : i32, i32, i32
  }
  func.func @transform_12(%arg0: i32, %arg1: memref<400xi32, #tpu.memory_space<smem>>, %arg2: memref<400xf32, #tpu.memory_space<smem>>, %arg3: memref<400xf32, #tpu.memory_space<smem>>) -> (i32, i32, i32) {
    %c0_i32 = arith.constant 0 : i32
    %c0_i32_0 = arith.constant 0 : i32
    %c0_i32_1 = arith.constant 0 : i32
    %c0_i32_2 = arith.constant 0 : i32
    return %c0_i32, %c0_i32_0, %c0_i32_1 : i32, i32, i32
  }
  func.func @transform_13(%arg0: i32, %arg1: memref<400xi32, #tpu.memory_space<smem>>, %arg2: memref<400xf32, #tpu.memory_space<smem>>, %arg3: memref<400xf32, #tpu.memory_space<smem>>) -> (i32, i32) {
    %c0_i32 = arith.constant 0 : i32
    %c0_i32_0 = arith.constant 0 : i32
    %c0_i32_1 = arith.constant 0 : i32
    return %c0_i32, %c0_i32_0 : i32, i32
  }
}

</mosaic_0001>

<sc_bundles>
// kernel: kernel.5.cloned.1.call-start
scs
__scs_entry_jumppad:
0x0: {  	(pc) =	sbr.rel $0x88, $3  }
0x1: {  	(tag) =	ssettag $0x0;
	lr =	simm.s32 $0x1  }
0x2: {  	[smem:$0x3F9E] =	sst lr;
	_ =	strace $0xD0000000  }
0x3: {  	_ = 	snop  }
0x4: {  	_ = 	snop  }
0x5: {  	_ = 	snop  }
0x6: {  	_ = 	snop  }
0x7: {  	_ = 	snop  }
__scs_overlays_trampoline_lowered:
0x8: {  	[smem:$0x3FAD] =	sst s0  }
0x9: {  	[smem:$0x3FAE] =	sst s1  }
0xa: {  	[smem:$0x3FAF] =	sst s2  }
0xb: {  	[smem:$0x3FB0] =	sst s3  }
0xc: {  	[smem:$0x3FB1] =	sst s4  }
0xd: {  	[smem:$0x3FB2] =	sst s5  }
0xe: {  	[smem:$0x3FB3] =	sst s6  }
0xf: {  	[smem:$0x3FB4] =	sst s7  }
0x10: {  	[smem:$0x3FB5] =	sst s8  }
0x11: {  	[smem:$0x3FB6] =	sst s9;
	s0 =	simm.s32 @!p0 $0x0  }
0x12: {  	s1 =	sld [smem:$0x3F9C];
	s0 =	simm.s32 @p0 $0x1  }
0x13: {  	[smem:$0x3FB7] =	sst s0;
	s0 =	simm.s32 @!p1 $0x0  }
0x14: {  	s2 =	sld [smem:$0x3F9B];
	s0 =	simm.s32 @p1 $0x1  }
0x15: {  	[smem:$0x3FB8] =	sst s0;
	s0 =	simm.s32 @!p2 $0x0  }
0x16: {  	s3 =	sld [smem:$0x3FDB];
	s0 =	simm.s32 @p2 $0x1  }
0x17: {  	s4 =	simm.s32 $0x1BF5;
	[smem:$0x3FBA] =	sst s0  }
0x18: {  	s0 =	sld [smem:$0x3F9D];
	_ =	swait.ge [sflag:s4], $0x0  }
0x19: {  	s7 =	sld [smem:$0x3F9E]  }
0x1a: {  	s8 =	sadd.s32 $0xFFFFE003, lr  }
0x1b: {  	s9 =	sadd.s32 $0xFFFFFEF7, lr;
	s5 =	simm.s32 $0xFFFFFFFF;
	p2 =	slt.u32 s8, $0xFFFFF086  }
0x1c: {  	p1 =	slt.u32 s9, $0xF7A;
	s5 =	simm.s32 @!p2 $0x0  }
0x1d: {  	s5 =	simm.s32 @p1 $0x1;
	p0 =	seq.s32 s7, s2  }
0x1e: {  	s7 =	smul.u32 @!p0 $0xF7A, s2;
	p2 =	seq.s32 @!p0 s5, $0x0  }
0x1f: {  	s9 =	smul.u32 $0xF7A, s1;
	s8 =	simm.s32 @!p0 $0x1BF5;
	p2 =	por !p2, p0  }
0x20: {  	[sflag:s8] =	ssyncset.s32 @!p0 $0xFFFFF086;
	s6 =	sadd.s32 @!p0 s3, s7;
	s7 =	simm.s32 @!p0 $0x108  }
0x21: {  	s3 =	sadd.s32 s3, s9;
	s6 =	sadd.s32 @!p0 $0x88, s6;
	s7 =	simm.s32 @p2 $0x1082  }
0x22: {  	[simem:s7], [sflag:s8] =	dma.local @!p0 [hbm:s6], $0xF7A  }
0x23: {  	s9 =	sor.u32 $0xD0000000, s2;
	s6 =	simm.s32 $0x108;
	_ =	swait.ge @!p0 [sflag:s8], $0x0  }
0x24: {  	s3 =	sadd.s32 $0x88, s3;
	s6 =	simm.s32 @!p1 $0x1082;
	[sflag:s4] =	ssyncset.s32 $0xFFFFF086  }
0x25: {  	[simem:s6], [sflag:s4] =	dma.local [hbm:s3], $0xF7A  }
0x26: {  	[smem:$0x3F9E] =	sst s1;
	(tag) =	ssettag s2;
	_ =	strace s9  }
0x27: {  	s1 =	sld [smem:$0x3FAE]  }
0x28: {  	s2 =	sld [smem:$0x3FAF]  }
0x29: {  	s4 =	sld [smem:$0x3FB1]  }
0x2a: {  	p0 =	seq.s32 s5, $0x0;
	s5 =	sld [smem:$0x3FB2]  }
0x2b: {  	s6 =	sld [smem:$0x3FB3]  }
0x2c: {  	s7 =	sld [smem:$0x3FB4]  }
0x2d: {  	s3 =	simm.s32 $0x108;
	s8 =	sld [smem:$0x3FB5]  }
0x2e: {  	s3 =	simm.s32 @!p0 $0x1082;
	s9 =	sld [smem:$0x3FB6]  }
0x2f: {  	lr =	sadd.s32 s0, s3;
	s0 =	sld [smem:$0x3FAD]  }
0x30: {  	s3 =	sld [smem:$0x3FB0]  }
0x31: {  	[smem:$0x3FB9] =	sst s10  }
0x32: {  	s10 =	sld [smem:$0x3FB7];
	_ =	sdelay $0x3  }
0x33: {  	p0 =	seq.s32 s10, $0x1;
	s10 =	sld [smem:$0x3FB9];
	_ =	sdelay $0x3  }
0x34: {  	[smem:$0x3FB9] =	sst s10  }
0x35: {  	s10 =	sld [smem:$0x3FB8];
	_ =	sdelay $0x3  }
0x36: {  	p1 =	seq.s32 s10, $0x1;
	s10 =	sld [smem:$0x3FB9];
	_ =	sdelay $0x3  }
0x37: {  	[smem:$0x3FB9] =	sst s10  }
0x38: {  	s10 =	sld [smem:$0x3FBA]  }
0x39: {  	_ = 	snop;
	(pc) =	sbr.ind lr, $3  }
0x3a: {  	_ = 	snop  }
0x3b: {  	_ = 	snop  }
0x3c: {  	p2 =	seq.s32 s10, $0x1;
	s10 =	sld [smem:$0x3FB9]  }
0x3d: {  	_ =	shalt  }
0x3e: {  	_ =	shalt  }
0x3f: {  	_ =	shalt  }
0x40: {  	_ =	shalt  }
0x41: {  	_ =	shalt  }
0x42: {  	_ =	shalt  }
0x43: {  	_ =	shalt  }
0x44: {  	_ =	shalt  }
0x45: {  	_ =	shalt  }
0x46: {  	_ =	shalt  }
0x47: {  	_ =	shalt  }
0x48: {  	_ =	shalt  }
0x49: {  	_ =	shalt  }
0x4a: {  	_ =	shalt  }
0x4b: {  	_ =	shalt  }
0x4c: {  	_ =	shalt  }
0x4d: {  	_ =	shalt  }
0x4e: {  	_ =	shalt  }
0x4f: {  	_ =	shalt  }
0x50: {  	_ =	shalt  }
0x51: {  	_ =	shalt  }
0x52: {  	_ =	shalt  }
0x53: {  	_ =	shalt  }
0x54: {  	_ =	shalt  }
0x55: {  	_ =	shalt  }
0x56: {  	_ =	shalt  }
0x57: {  	_ =	shalt  }
0x58: {  	_ =	shalt  }
0x59: {  	_ =	shalt  }
0x5a: {  	_ =	shalt  }
0x5b: {  	_ =	shalt  }
0x5c: {  	_ =	shalt  }
0x5d: {  	_ =	shalt  }
0x5e: {  	_ =	shalt  }
0x5f: {  	_ =	shalt  }
0x60: {  	_ =	shalt  }
0x61: {  	_ =	shalt  }
0x62: {  	_ =	shalt  }
0x63: {  	_ =	shalt  }
0x64: {  	_ =	shalt  }
0x65: {  	_ =	shalt  }
0x66: {  	_ =	shalt  }
0x67: {  	_ =	shalt  }
0x68: {  	_ =	shalt  }
0x69: {  	_ =	shalt  }
0x6a: {  	_ =	shalt  }
0x6b: {  	_ =	shalt  }
0x6c: {  	_ =	shalt  }
0x6d: {  	_ =	shalt  }
0x6e: {  	_ =	shalt  }
0x6f: {  	_ =	shalt  }
0x70: {  	_ =	shalt  }
0x71: {  	_ =	shalt  }
0x72: {  	_ =	shalt  }
0x73: {  	_ =	shalt  }
0x74: {  	_ =	shalt  }
0x75: {  	_ =	shalt  }
0x76: {  	_ =	shalt  }
0x77: {  	_ =	shalt  }
0x78: {  	_ =	shalt  }
0x79: {  	_ =	shalt  }
0x7a: {  	_ =	shalt  }
0x7b: {  	_ =	shalt  }
0x7c: {  	_ =	shalt  }
0x7d: {  	_ =	shalt  }
0x7e: {  	_ =	shalt  }
0x7f: {  	_ =	shalt  }
0x80: {  	_ =	shalt  }
0x81: {  	_ =	shalt  }
0x82: {  	_ =	shalt  }
0x83: {  	_ =	shalt  }
0x84: {  	_ =	shalt  }
0x85: {  	_ =	shalt  }
0x86: {  	_ =	shalt  }
0x87: {  	_ =	shalt  }
.Lfunc_end0:
.L_simem_size_0:
called_computation_lowered:
.L_overlay_start_0:
0x88: {  	s2 =	sld [smem:$0x3FD9]  }
0x89: {  	s3 =	sld [smem:$0x3FFE];
	_ =	sdelay $0x1  }
0x8a: {  	s1 =	srdreg.scid  }
0x8b: {  	s0 =	sand.u32 $0x1, s1  }
0x8c: {  	s14 =	sshll.u32 s0, $0xA;
	s2 =	sadd.s32 s3, s2  }
0x8d: {  	s2 =	sadd.s32 s2, s14  }
0x8e: {  	[smem:$0x3FC5] =	sst s2  }
0x8f: {  	_ = 	snop  }
0x90: {  	s2 =	sld [smem:$0x3FD0];
	_ =	sdelay $0x2  }
0x91: {  	s15 =	simm.s32 $0xA;
	s4 =	simm.s32 $0x10  }
0x92: {  	[smem:s4], [sflag:s15] =	dma.local [hbm:s2], $0x1  }
0x93: {  	_ =	swait.eq [sflag:s15], $0x1  }
0x94: {  	[sflag:s15] =	ssyncset.done $0x0  }
0x95: {  	s16 =	sld [smem:$0x10];
	[sflag:s15] =	ssyncadd.s32 $0xFFFFFFFF  }
0x96: {  	s17 =	sld [smem:$0x13];
	(tm) =	ssettm $0x1  }
0x97: {  	s18 =	sld [smem:$0x3FFB];
	_ =	sdelay $0x3  }
0x98: {  	_ =	strace s18  }
0x99: {  	s4 =	sld [smem:$0x3FFC];
	_ =	sdelay $0x3  }
0x9a: {  	_ =	strace s4  }
0x9b: {  	s4 =	sld [smem:$0x3FFD];
	_ =	sdelay $0x3  }
0x9c: {  	_ =	strace s4  }
0x9d: {  	_ =	strace $0x8FFFFFFF  }
0x9e: {  	s19 =	sld [smem:$0x3FDB];
	_ =	sdelay $0x1  }
0x9f: {  	s5 =	simm.s32 $_scs_section_size  }
0xa0: {  	s6 =	simm.s32 $_size__tile_overlayer_lowered;
	s7 =	simm.s32 $_tile_overlayer_lowered  }
0xa1: {  	s22 =	simm.s32 $0x1BFF;
	s21 =	sshll.u32 s7, $0x1;
	s4 =	sadd.s32 s5, s19  }
0xa2: {  	s8 =	simm.s32 $0x0;
	s20 =	sshll.u32 s6, $0x1;
	s6 =	sadd.s32 s21, s4  }
0xa3: {  	[timem:s8], [sflag:s22] =	dma.local [hbm:s6], s20  }
0xa4: {  	_ =	swait.ge [sflag:s22], s20  }
0xa5: {  	s5 =	ssub.s32 $0x0, s20;
	[sflag:s22] =	ssyncset.done $0x0  }
0xa6: {  	[sflag:s22] =	ssyncadd.s32 s5;
	_ =	sdelay $0x1  }
0xa7: {  	s23 =	simm.s32 $0x1B8B  }
0xa8: {  	_ =	swait.ge [sflag:s23], $0x1  }
0xa9: {  	[sflag:s23] =	ssyncset.done $0x0  }
0xaa: {  	s25 =	simm.s32 $0x1B8E;
	s24 =	sld [smem:$0x3FFE];
	[sflag:s23] =	ssyncadd.s32 $0xFFFFFFFF  }
0xab: {  	s26 =	simm.s32 $execute0_lowered;
	[smem:$0x3FD2] =	sst s25  }
0xac: {  	s6 =	sshll.u32 s26, $0x1;
	_ =	strace $0x80000046;
	[dreg:$0x1] =	wrdreg $0xFFFFFFFF  }
0xad: {  	s28 =	simm.s32 $_size_execute0_lowered;
	s4 =	sadd.s32 s4, s6;
	[dreg:$0x0] =	wrdreg $0x0  }
0xae: {  	s6 =	sshll.u32 s28, $0x1;
	[dreg:$0x2] =	wrdreg s4  }
0xaf: {  	[dreg:$0x3] =	wrdreg s6  }
0xb0: {  	[dreg:$0x4] =	wrdreg $0xC0  }
0xb1: {  	_ =	task [dreg:s8], $0x5FFFF  }
0xb2: {  	[dreg:$0x1] =	wrdreg $0xFFFFFFFF  }
0xb3: {  	[dreg:$0x0] =	wrdreg $0x60  }
0xb4: {  	[dreg:$0x2] =	wrdreg s17  }
0xb5: {  	[dreg:$0x3] =	wrdreg s16  }
0xb6: {  	[dreg:$0x4] =	wrdreg s24  }
0xb7: {  	[dreg:$0x5] =	wrdreg $0x9  }
0xb8: {  	_ =	task.clear_ibuf [dreg:s8], $0x6FFFF;
	_ =	strace $0x90000046  }
0xb9: {  	s29 =	simm.s32 $0x9;
	_ =	strace $0x80000048  }
0xba: {  	_ =	swait.ge [sflag:s29], $0x1  }
0xbb: {  	[sflag:s29] =	ssyncadd.s32 $0xFFFFFFFF  }
0xbc: {  	_ =	strace $0x90000048  }
0xbd: {  	_ =	sfence  }
0xbe: {  	s30 =	sld [smem:$0x0];
	_ =	sdelay $0x2  }
0xbf: {  	s31 =	sshll.u32 s1, $0xD;
	s1 =	sshrl.u32 s1, $0x2  }
0xc0: {  	s3 =	sand.u32 $0x4000, s31;
	s1 =	sadd.s32 s1, s30  }
0xc1: {  	s0 =	sor.u32 s3, s0;
	s1 =	sshll.u32 s1, $0x11  }
0xc2: {  	s0 =	sor.u32 s1, s0  }
0xc3: {  	s0 =	sadd.s32 $0x8F2B, s0  }
0xc4: {  	[sflag:s0] =	ssyncadd.remote.s32 $0x1  }
0xc5: {  	_ =	sfence.sel $0xFFFF  }
0xc6: {  	[dreg:$0x0] =	wrdreg $0xFFFFFFFF;
	(pc) =	sbr.abs _section_cstart, $3  }
0xc7: {  	[dreg:$0x1] =	wrdreg $0xFFFFFFFF  }
0xc8: {  	_ =	task.clear_ibuf [dreg:s8], $0x2FFFF;
	_ =	strace $0x9FFFFFFF  }
0xc9: {  	(tm) =	ssettm $0x7FFFFFFF  }
tec
execute0_lowered:
.L_overlay_start_1:
0x0: {  	(tag) =	ssettag $0x1  }
0x1: {  	s1 =	rddreg [dreg:$0x0];
	s2 =	srdreg.scid  }
0x2: {  	s4 =	rddreg [dreg:$0x1];
	s0 =	stileid.u32  }
0x3: {  	s9 =	rddreg [dreg:$0x2];
	s3 =	simm.s32 $0x0;
	s6 =	sand.u32 $0x1, s2  }
0x4: {  	s5 =	sshll.u32 s0, $0x5;
	s2 =	rddreg [dreg:$0x3];
	s7 =	sshll.u32 s6, $0x4  }
0x5: {  	s8 =	simm.s32 $0x1;
	[smem:$0x7FF] =	sst s3;
	s10 =	sor.u32 s7, s5  }
0x6: {  	_ =	strace $0x80000047;
	s11 =	ssub.s32 $0x2, s6;
	s5 =	sshrl.u32 s10, $0x3  }
0x7: {  	s6 =	simm.s32 $0x10;
	s5 =	sadd.s32 s4, s5;
	s4 =	simm.s32 $0x2  }
0x8: {  	[tilespmem:s3], [sflag:$0x2] =	stream.linear.gather [hbm4b:s5+s3], $0x10, $0x38;
	[tilespmem:$0x880] =	vst v63  }
0x9: {  	s7 =	simm.s32 $0x80;
	s12 =	sshrl.u32 s11, $0x1;
	_ =	swait.ge [sflag:s4], $0x10  }
0xa: {  	s10 =	sshll.u32 s10, $0x4;
	s31 =	ssub.s32 s11, s12;
	[sflag:s4] =	ssyncset.done $0x0  }
0xb: {  	s9 =	sadd.s32 s10, s9;
	s10 =	smax.u32 s31, $0x1;
	[sflag:s4] =	ssyncadd.s32 $0xFFFFFFF0  }
0xc: {  	[tilespmem:s7], [sflag:$0x1] =	stream.indirect.gather [hbm4b:s1+s6], $0x80, s3, s6, $0xb8;
	[tilespmem:$0x880] =	vst v63  }
0xd: {  	p0 =	sne.s32 s10, $0x1;
	_ =	swait.ge [sflag:s8], $0x800  }
.Ltmp0:
0xe: {  	[sflag:s8] =	ssyncset.done $0x0;
	(pc) =	sbr.rel @!p0 .LBB2_2-.Ltmp0, $4  }
0xf: {  	s9 =	sadd.s32 $0x200, s9;
	[sflag:s8] =	ssyncadd.s32 $0xFFFFF800  }
0x10: {  	[hbm4b:s9+s3] =	stream.linear.scatter [tilespmem:s7], [sflag:$0x2], $0x800, $0x38;
	[tilespmem:$0x880] =	vst v63  }
0x11: {  	_ =	swait.ge [sflag:s4], $0x800  }
0x12: {  	s10 =	sadd.s32 $0xFFFFFFFF, s10;
	[sflag:s4] =	ssyncset.done $0x0  }
.LBB2_1:
0x13: {  	p0 =	sne.s32 s10, $0x1;
	s10 =	sadd.s32 $0xFFFFFFFF, s10;
	[sflag:s4] =	ssyncadd.s32 $0xFFFFF800  }
0x14: {  	[tilespmem:s3], [sflag:$0x2] =	stream.linear.gather [hbm4b:s5+s3], $0x10, $0x38;
	[tilespmem:$0x880] =	vst v63  }
0x15: {  	_ =	swait.ge [sflag:s4], $0x10  }
0x16: {  	[sflag:s4] =	ssyncset.done $0x0  }
0x17: {  	[sflag:s4] =	ssyncadd.s32 $0xFFFFFFF0  }
0x18: {  	[tilespmem:s7], [sflag:$0x1] =	stream.indirect.gather [hbm4b:s1+s6], $0x80, s3, s6, $0xb8;
	[tilespmem:$0x880] =	vst v63  }
0x19: {  	_ =	swait.ge [sflag:s8], $0x800  }
.Ltmp1:
0x1a: {  	[sflag:s8] =	ssyncset.done $0x0;
	(pc) =	sbr.rel @p0 .LBB2_1-.Ltmp1, $4  }
0x1b: {  	[sflag:s8] =	ssyncadd.s32 $0xFFFFF800  }
0x1c: {  	[hbm4b:s9+s3] =	stream.linear.scatter [tilespmem:s7], [sflag:$0x2], $0x800, $0x38;
	[tilespmem:$0x880] =	vst v63  }
0x1d: {  	_ =	swait.ge [sflag:s4], $0x800  }
0x1e: {  	[sflag:s4] =	ssyncset.done $0x0  }
.LBB2_2:
0x1f: {  	[sflag:s4] =	ssyncadd.s32 $0xFFFFF800  }
0x20: {  	_ =	sfence.sel $0x180000  }
0x21: {  	[bflag:$0x0] =	sbarrier.arrive $0xFFFF  }
0x22: {  	p0 =	sne.s32 s0, $0x0;
	_ =	strace $0x90000047  }
0x23: {  	s0 =	sadd.s32 @!p0 $0x100000, s2;
	[bflag:$0x2] =	sbarrier.arrive $0xFFFF  }
0x24: {  	[sflag:s0] =	ssyncadd.tile.s32 @!p0 $0x1;
	_ =	shalt  }
.Lfunc_end2:
_tile_overlayer_lowered:
.L_overlay_start_2:
0x25: {  	(tag) =	ssettag $0x2  }
0x26: {  	s0 =	rddreg [dreg:$0x0];
	s2 =	stileid.u32  }
0x27: {  	s1 =	rddreg [dreg:$0x1];
	p0 =	sne.s32 s2, $0x0  }
0x28: {  	s3 =	rddreg [dreg:$0x2];
	[bflag:$0x3] =	sbarrier.arrive $0xFFFF;
	s2 =	simm.s32 @!p0 $0x1C02  }
0x29: {  	[timem:s3], [sflag:s2] =	dma.local @!p0 [hbm:s0], s1  }
0x2a: {  	s0 =	simm.s32 @!p0 $0x2  }
0x2b: {  	_ =	swait.ge @!p0 [sflag:s0], s1  }
0x2c: {  	s1 =	ssub.s32 @!p0 $0x0, s1;
	[sflag:s0] =	ssyncset.done @!p0 $0x0  }
0x2d: {  	[sflag:s0] =	ssyncadd.s32 @!p0 s1  }
0x2e: {  	[bflag:$0x3] =	sbarrier.arrive $0xFFFF  }
0x2f: {  	_ =	shalt  }

</sc_bundles>
